<compile_context>
chip_gen: v7x
topology: tpu7x:2x2x1
jax: 0.10.2.dev20260603
libtpu: 0.0.44.dev20260713+nightly
codegen_flags: <defaults>
</compile_context>

<pallas_src>
import functools

import jax
import jax.numpy as jnp
from jax import lax
from jax.experimental import pallas as pl
from jax.experimental.pallas import tpu as pltpu
from jax.experimental.pallas import tpu_sc as plsc

N = 10000
D = 128
C = 10

NC = 2
NS = 16
NW = NC * NS

K = 128
E = 320000
EW = 10112
IT = EW // K
E_P = EW * NW
N_P = 10240
RPT = N_P // NS
NR = N_P // 128

RB = 1280
TGRID = N_P // RB


def _sc_mesh():
    return plsc.VectorSubcoreMesh(core_axis_name="c", subcore_axis_name="s")



@functools.partial(
    pl.kernel,
    out_type=jax.ShapeDtypeStruct((NW, NR, 128), jnp.float32),
    mesh=_sc_mesh(),
    compiler_params=pltpu.CompilerParams(needs_layout_passes=False),
    scratch_types=[
        pltpu.VMEM((K,), jnp.int32),
        pltpu.VMEM((NR, 128), jnp.float32),
    ],
)
def _sc_count(dst_hbm, znp_hbm, out_hbm, dsti_v, cpart_v):
    c = lax.axis_index("c")
    s = lax.axis_index("s")
    wid = c * NS + s
    pltpu.sync_copy(znp_hbm, cpart_v)
    ones16 = jnp.full((16,), 1.0, jnp.float32)

    def body(i, carry):
        base = wid * EW + i * K
        pltpu.sync_copy(dst_hbm.at[pl.ds(base, K)], dsti_v)
        for jj in range(K // 16):
            cidx = dsti_v[pl.ds(jj * 16, 16)]
            plsc.addupdate_scatter(cpart_v, [cidx >> 7, cidx & 127], ones16)
        return carry

    lax.fori_loop(0, IT, body, 0)
    pltpu.sync_copy(cpart_v, out_hbm.at[wid])



@functools.partial(
    pl.kernel,
    out_type=(jax.ShapeDtypeStruct((NC, N_P, D), jnp.float32),
              jax.ShapeDtypeStruct((NW, NR, 128), jnp.float32)),
    mesh=_sc_mesh(),
    compiler_params=pltpu.CompilerParams(needs_layout_passes=False),
    scratch_types=[
        pltpu.VMEM((K,), jnp.int32),
        pltpu.VMEM((K,), jnp.int32),
        pltpu.VMEM((K, D), jnp.float32),
        pltpu.VMEM((NR, 128), jnp.float32),
        pltpu.VMEM((NR, 128), jnp.float32),
        pltpu.VMEM_SHARED((N_P, D), jnp.float32),
        pltpu.SemaphoreType.DMA,
    ],
)
def _sc_scatter_t(g_hbm, dis_hbm, src_hbm, dst_hbm, z128_hbm, znp_hbm,
                  pout, tout, srci_v, dsti_v, rows_v, dis_v, tpart_v, acc,
                  sem):
    c = lax.axis_index("c")
    s = lax.axis_index("s")
    wid = c * NS + s
    pltpu.sync_copy(z128_hbm, acc.at[pl.ds(s * RPT, RPT)])
    pltpu.sync_copy(znp_hbm, tpart_v)
    pltpu.sync_copy(dis_hbm, dis_v)
    plsc.subcore_barrier()

    def body(i, carry):
        base = wid * EW + i * K
        pltpu.sync_copy(src_hbm.at[pl.ds(base, K)], srci_v)
        pltpu.sync_copy(dst_hbm.at[pl.ds(base, K)], dsti_v)
        pltpu.async_copy(g_hbm.at[srci_v], rows_v, sem).wait()
        pltpu.sync_copy(rows_v, acc.at[dsti_v], add=True)
        for jj in range(K // 16):
            didx = dsti_v[pl.ds(jj * 16, 16)]
            sidx = srci_v[pl.ds(jj * 16, 16)]
            dvals = plsc.load_gather(dis_v, [didx >> 7, didx & 127])
            plsc.addupdate_scatter(tpart_v, [sidx >> 7, sidx & 127], dvals)
        return carry

    lax.fori_loop(0, IT, body, 0)
    plsc.subcore_barrier()
    pltpu.sync_copy(acc.at[pl.ds(s * RPT, RPT)],
                    pout.at[c, pl.ds(s * RPT, RPT)])
    pltpu.sync_copy(tpart_v, tout.at[wid])



@functools.partial(
    pl.kernel,
    out_type=jax.ShapeDtypeStruct((NC, N_P, D), jnp.float32),
    mesh=_sc_mesh(),
    compiler_params=pltpu.CompilerParams(needs_layout_passes=False),
    scratch_types=[
        pltpu.VMEM((K,), jnp.int32),
        pltpu.VMEM((K,), jnp.int32),
        pltpu.VMEM((K, D), jnp.float32),
        pltpu.VMEM_SHARED((N_P, D), jnp.float32),
        pltpu.SemaphoreType.DMA,
    ],
)
def _sc_scatter(g_hbm, src_hbm, dst_hbm, z128_hbm, pout,
                srci_v, dsti_v, rows_v, acc, sem):
    c = lax.axis_index("c")
    s = lax.axis_index("s")
    wid = c * NS + s
    pltpu.sync_copy(z128_hbm, acc.at[pl.ds(s * RPT, RPT)])
    plsc.subcore_barrier()

    def body(i, carry):
        base = wid * EW + i * K
        pltpu.sync_copy(src_hbm.at[pl.ds(base, K)], srci_v)
        pltpu.sync_copy(dst_hbm.at[pl.ds(base, K)], dsti_v)
        pltpu.async_copy(g_hbm.at[srci_v], rows_v, sem).wait()
        pltpu.sync_copy(rows_v, acc.at[dsti_v], add=True)
        return carry

    lax.fori_loop(0, IT, body, 0)
    plsc.subcore_barrier()
    pltpu.sync_copy(acc.at[pl.ds(s * RPT, RPT)],
                    pout.at[c, pl.ds(s * RPT, RPT)])



def _tc1_body(x_ref, cnt_ref, w_ref, dis_ref, g_ref):
    ones_nw = jnp.ones((NW, 1), jnp.float32)
    cnt = lax.dot_general(cnt_ref[...], ones_nw, (((0,), (0,)), ((), ())),
                          preferred_element_type=jnp.float32)
    dis = lax.rsqrt(1.0 + cnt)
    dis_ref[...] = dis
    g_ref[...] = dis * jnp.dot(x_ref[...], w_ref[...],
                               preferred_element_type=jnp.float32)


def _tc1(x_p, cnt, W1):
    return pl.pallas_call(
        _tc1_body,
        grid=(TGRID,),
        in_specs=[
            pl.BlockSpec((RB, D), lambda i: (i, 0)),
            pl.BlockSpec((NW, RB), lambda i: (0, i)),
            pl.BlockSpec((D, D), lambda i: (0, 0)),
        ],
        out_specs=[
            pl.BlockSpec((RB, 1), lambda i: (i, 0)),
            pl.BlockSpec((RB, D), lambda i: (i, 0)),
        ],
        out_shape=[
            jax.ShapeDtypeStruct((N_P, 1), jnp.float32),
            jax.ShapeDtypeStruct((N_P, D), jnp.float32),
        ],
    )(x_p, cnt, W1)


def _tc2_body(p_ref, g_ref, dis_ref, b_ref, w_ref, t_ref, gout_ref,
              tsum_ref):
    dis = dis_ref[...]
    h = dis * (p_ref[0] + p_ref[1] + g_ref[...]) + b_ref[...]
    h = jnp.maximum(h, 0.0)
    gout_ref[...] = dis * jnp.dot(h, w_ref[...],
                                  preferred_element_type=jnp.float32)
    ones_nw = jnp.ones((NW, 1), jnp.float32)
    tsum_ref[...] = lax.dot_general(
        t_ref[...], ones_nw, (((0,), (0,)), ((), ())),
        preferred_element_type=jnp.float32)


def _tc2(p1, g1, dis, b1r, W2, tpart):
    return pl.pallas_call(
        _tc2_body,
        grid=(TGRID,),
        in_specs=[
            pl.BlockSpec((NC, RB, D), lambda i: (0, i, 0)),
            pl.BlockSpec((RB, D), lambda i: (i, 0)),
            pl.BlockSpec((RB, 1), lambda i: (i, 0)),
            pl.BlockSpec((1, D), lambda i: (0, 0)),
            pl.BlockSpec((D, D), lambda i: (0, 0)),
            pl.BlockSpec((NW, RB), lambda i: (0, i)),
        ],
        out_specs=[
            pl.BlockSpec((RB, D), lambda i: (i, 0)),
            pl.BlockSpec((RB, 1), lambda i: (i, 0)),
        ],
        out_shape=[
            jax.ShapeDtypeStruct((N_P, D), jnp.float32),
            jax.ShapeDtypeStruct((N_P, 1), jnp.float32),
        ],
    )(p1, g1, dis, b1r, W2, tpart)


def _tc3_body(p_ref, g_ref, dis_ref, b2_ref, t_ref, w3_ref, b3_ref,
              wl_ref, bl_ref, out_ref, racc):
    i = pl.program_id(0)
    dis = dis_ref[...]
    h2 = dis * (p_ref[0] + p_ref[1] + g_ref[...]) + b2_ref[...]
    h2 = jnp.maximum(h2, 0.0)
    q = dis * (t_ref[...] + dis)
    row = i * RB + lax.broadcasted_iota(jnp.int32, (RB, 1), 0)
    q = jnp.where(row < N, q, 0.0)
    contrib = jnp.sum(q * h2, axis=0, keepdims=True)

    @pl.when(i == 0)
    def _():
        racc[...] = contrib

    @pl.when(i > 0)
    def _():
        racc[...] = racc[...] + contrib

    @pl.when(i == TGRID - 1)
    def _():
        pooled = jnp.dot(racc[...] * (1.0 / N), w3_ref[...],
                         preferred_element_type=jnp.float32) + b3_ref[...]
        out_ref[...] = jnp.dot(pooled, wl_ref[...],
                               preferred_element_type=jnp.float32) + bl_ref[...]


def _tc3(p2, g2, dis, b2r, t, W3, b3r, Wl, blr):
    return pl.pallas_call(
        _tc3_body,
        grid=(TGRID,),
        in_specs=[
            pl.BlockSpec((NC, RB, D), lambda i: (0, i, 0)),
            pl.BlockSpec((RB, D), lambda i: (i, 0)),
            pl.BlockSpec((RB, 1), lambda i: (i, 0)),
            pl.BlockSpec((1, D), lambda i: (0, 0)),
            pl.BlockSpec((RB, 1), lambda i: (i, 0)),
            pl.BlockSpec((D, D), lambda i: (0, 0)),
            pl.BlockSpec((1, D), lambda i: (0, 0)),
            pl.BlockSpec((D, C), lambda i: (0, 0)),
            pl.BlockSpec((1, C), lambda i: (0, 0)),
        ],
        out_specs=pl.BlockSpec((1, C), lambda i: (0, 0)),
        out_shape=jax.ShapeDtypeStruct((1, C), jnp.float32),
        scratch_shapes=[pltpu.VMEM((1, D), jnp.float32)],
    )(p2, g2, dis, b2r, t, W3, b3r, Wl, blr)


def kernel(x, edge_index, W1, b1, W2, b2, W3, b3, Wl, bl):
    pad = jnp.full((E_P - E,), N, dtype=jnp.int32)
    src_p = jnp.concatenate([edge_index[0], pad])
    dst_p = jnp.concatenate([edge_index[1], pad])
    x_p = jnp.pad(x, ((0, N_P - N), (0, 0)))
    z128 = jnp.zeros((RPT, D), jnp.float32)
    znp = jnp.zeros((NR, 128), jnp.float32)
    b1r = b1.reshape(1, D)
    b2r = b2.reshape(1, D)
    b3r = b3.reshape(1, D)
    blr = bl.reshape(1, C)

    cnt = _sc_count(dst_p, znp)
    dis, g1 = _tc1(x_p, cnt.reshape(NW, N_P), W1)
    p1, tpart = _sc_scatter_t(g1, dis.reshape(NR, 128), src_p, dst_p,
                              z128, znp)
    g2, tsum = _tc2(p1, g1, dis, b1r, W2, tpart.reshape(NW, N_P))
    p2 = _sc_scatter(g2, src_p, dst_p, z128)
    return _tc3(p2, g2, dis, b2r, tsum, W3, b3r, Wl, blr)

# --- scband reference (transcript-rebuilt; emitter-appended) ---
"""Pipeline reference for scband-gcn-46291157516754 (READ-ONLY COPY).

The authoritative reference and input builder live on the scoring server;
editing this copy changes nothing except your own understanding.
"""

import jax, jax.numpy as jnp
import numpy as np

N = 10000
E = 320000
D = 128
H = 128
C = 10


def setup_inputs(seed: int = 0) -> dict:
    key = jax.random.key(seed)
    ks = jax.random.split(key, 12)
    x = jax.random.normal(ks[0], (N, D), dtype=jnp.float32)
    edge_index = jax.random.randint(ks[1], (2, E), 0, N, dtype=jnp.int32)
    W1 = jax.random.normal(ks[2], (D, H), dtype=jnp.float32) * (1.0 / np.sqrt(D))
    b1 = jnp.zeros((H,), dtype=jnp.float32)
    W2 = jax.random.normal(ks[3], (H, H), dtype=jnp.float32) * (1.0 / np.sqrt(H))
    b2 = jnp.zeros((H,), dtype=jnp.float32)
    W3 = jax.random.normal(ks[4], (H, H), dtype=jnp.float32) * (1.0 / np.sqrt(H))
    b3 = jnp.zeros((H,), dtype=jnp.float32)
    Wl = jax.random.normal(ks[5], (H, C), dtype=jnp.float32) * (1.0 / np.sqrt(H))
    bl = jnp.zeros((C,), dtype=jnp.float32)
    return {"x": x, "edge_index": edge_index, "W1": W1, "b1": b1,
            "W2": W2, "b2": b2, "W3": W3, "b3": b3, "Wl": Wl, "bl": bl}


def _gcn_conv(x, edge_index, W, b):
    # PyG GCNConv: h = x @ W; symmetric norm with self-loops; scatter-add; + bias
    n = x.shape[0]
    loop = jnp.arange(n, dtype=edge_index.dtype)
    src = jnp.concatenate([edge_index[0], loop])
    dst = jnp.concatenate([edge_index[1], loop])
    ew = jnp.ones(src.shape[0], dtype=jnp.float32)
    deg = jax.ops.segment_sum(ew, dst, num_segments=n)
    dis = jnp.where(deg > 0, jax.lax.rsqrt(jnp.maximum(deg, 1e-12)), 0.0)
    norm = dis[src] * dis[dst] * ew
    h = x @ W
    msg = h[src] * norm[:, None]
    out = jax.ops.segment_sum(msg, dst, num_segments=n)
    return out + b


def reference(x, edge_index, W1, b1, W2, b2, W3, b3, Wl, bl):
    h = jax.nn.relu(_gcn_conv(x, edge_index, W1, b1))
    h = jax.nn.relu(_gcn_conv(h, edge_index, W2, b2))
    h = _gcn_conv(h, edge_index, W3, b3)
    # global_mean_pool with batch=None -> single graph mean over all nodes
    pooled = jnp.mean(h, axis=0, keepdims=True)
    # dropout p=0.5 in eval mode is identity
    out = pooled @ Wl + bl
    return out

if __name__ == "__main__":
    import jax
    _d = setup_inputs()
    print(jax.jit(kernel)(*tuple(_d.values())))

</pallas_src>

<mosaic_0001>
#map = affine_map<(d0, d1) -> (0)>
#map1 = affine_map<(d0, d1) -> (0, 0)>
#map2 = affine_map<(d0, d1) -> (0, 0, 0)>
module attributes {stable_mosaic.version = 14 : i64} {
  func.func @_sc_count(%arg0: i32, %arg1: i32, %arg2: memref<323584xi32, #tpu.memory_space<hbm>>, %arg3: memref<80x128xf32, #tpu.memory_space<hbm>>, %arg4: memref<32x80x128xf32, #tpu.memory_space<hbm>>, %arg5: memref<128xi32, #tpu.memory_space<vmem>>, %arg6: memref<80x128xf32, #tpu.memory_space<vmem>>) attributes {dimension_semantics = [#tpu.dimension_semantics<core_parallel>, #tpu.dimension_semantics<subcore_parallel>], iteration_bounds = array<i64: 2, 16>, scalar_prefetch = 0 : i64, scratch_operands = 2 : i64, tpu.core_type = #tpu.core_type<sc_vector_subcore>, window_params = [{transform_indices = #map}, {transform_indices = #map1}, {transform_indices = #map2}]} {
    %mul3A = arith.constant 16 : i32
    %mul3A_0 = arith.muli %arg0, %mul3A : i32
    %add3A = arith.addi %mul3A_0, %arg1 : i32
    "tpu.region"() ({
      %run_scoped3A = tpu.sem_alloc : memref<!tpu.dma_semaphore, #tpu.memory_space<semaphore_mem>>
      tpu.enqueue_dma source(%arg3 : memref<80x128xf32, #tpu.memory_space<hbm>>) target(%arg6 : memref<80x128xf32, #tpu.memory_space<vmem>>) target_semaphore(%run_scoped3A : memref<!tpu.dma_semaphore, #tpu.memory_space<semaphore_mem>>)
      tpu.wait_dma2 semaphore(%run_scoped3A : memref<!tpu.dma_semaphore, #tpu.memory_space<semaphore_mem>>) src(%arg3 : memref<80x128xf32, #tpu.memory_space<hbm>>) dst(%arg6 : memref<80x128xf32, #tpu.memory_space<vmem>>)
      tpu.yield
    }) : () -> ()
    %broadcast_in_dim3A = arith.constant 1.000000e+00 : f32
    %broadcast_in_dim3A_1 = vector.broadcast %broadcast_in_dim3A : f32 to vector<16xf32>
    %scan3A = arith.constant 0 : i32
    %scan3A_2 = arith.constant 0 : i32
    %scan3A_3 = arith.constant 79 : i32
    %scan3A_4 = arith.addi %scan3A_2, %scan3A_3 : i32
    %scan3A_5 = arith.constant 1 : i32
    scf.for %scan3A_7 = %scan3A_2 to %scan3A_4 step %scan3A_5  : i32 {
      %mul3A_8 = arith.constant 10112 : i32
      %mul3A_9 = arith.muli %add3A, %mul3A_8 : i32
      %mul3A_10 = arith.constant 128 : i32
      %mul3A_11 = arith.muli %scan3A_7, %mul3A_10 : i32
      %add3A_12 = arith.addi %mul3A_9, %mul3A_11 : i32
      "tpu.region"() ({
        %run_scoped3A = tpu.sem_alloc : memref<!tpu.dma_semaphore, #tpu.memory_space<semaphore_mem>>
        %dma_start3A = tpu.memref_slice %arg2[%add3A_12] : memref<323584xi32, #tpu.memory_space<hbm>> -> memref<128xi32, #tpu.memory_space<hbm>>
        %dma_start3A_74 = tpu.memref_slice %arg2[%add3A_12] : memref<323584xi32, #tpu.memory_space<hbm>> -> memref<128xi32, #tpu.memory_space<hbm>>
        tpu.enqueue_dma source(%dma_start3A_74 : memref<128xi32, #tpu.memory_space<hbm>>) target(%arg5 : memref<128xi32, #tpu.memory_space<vmem>>) target_semaphore(%run_scoped3A : memref<!tpu.dma_semaphore, #tpu.memory_space<semaphore_mem>>)
        %dma_wait3A = tpu.memref_slice %arg2[%add3A_12] : memref<323584xi32, #tpu.memory_space<hbm>> -> memref<128xi32, #tpu.memory_space<hbm>>
        %dma_wait3A_75 = tpu.memref_slice %arg2[%add3A_12] : memref<323584xi32, #tpu.memory_space<hbm>> -> memref<128xi32, #tpu.memory_space<hbm>>
        tpu.wait_dma2 semaphore(%run_scoped3A : memref<!tpu.dma_semaphore, #tpu.memory_space<semaphore_mem>>) src(%dma_wait3A_75 : memref<128xi32, #tpu.memory_space<hbm>>) dst(%arg5 : memref<128xi32, #tpu.memory_space<vmem>>)
        tpu.yield
      }) : () -> ()
      %get3A = arith.constant 0 : index
      %get3A_13 = tpu.vector_load %arg5[%get3A] {strides = array<i32>} : memref<128xi32, #tpu.memory_space<vmem>>, vector<16xi32>,
      %shift_right_arithmetic3A = arith.constant 7 : i32
      %shift_right_arithmetic3A_14 = vector.broadcast %shift_right_arithmetic3A : i32 to vector<16xi32>
      %shift_right_arithmetic3A_15 = arith.shrsi %get3A_13, %shift_right_arithmetic3A_14 : vector<16xi32>
      %and3A = arith.constant 127 : i32
      %and3A_16 = vector.broadcast %and3A : i32 to vector<16xi32>
      %and3A_17 = arith.andi %get3A_13, %and3A_16 : vector<16xi32>
      tpu.vector_store_idx %arg6[%shift_right_arithmetic3A_15, %and3A_17], %broadcast_in_dim3A_1 {add = true} : memref<80x128xf32, #tpu.memory_space<vmem>>[vector<16xi32>, vector<16xi32>], vector<16xf32>,
      %get3A_18 = arith.constant 16 : index
      %get3A_19 = tpu.vector_load %arg5[%get3A_18] {strides = array<i32>} : memref<128xi32, #tpu.memory_space<vmem>>, vector<16xi32>,
      %shift_right_arithmetic3A_20 = arith.constant 7 : i32
      %shift_right_arithmetic3A_21 = vector.broadcast %shift_right_arithmetic3A_20 : i32 to vector<16xi32>
      %shift_right_arithmetic3A_22 = arith.shrsi %get3A_19, %shift_right_arithmetic3A_21 : vector<16xi32>
      %and3A_23 = arith.constant 127 : i32
      %and3A_24 = vector.broadcast %and3A_23 : i32 to vector<16xi32>
      %and3A_25 = arith.andi %get3A_19, %and3A_24 : vector<16xi32>
      tpu.vector_store_idx %arg6[%shift_right_arithmetic3A_22, %and3A_25], %broadcast_in_dim3A_1 {add = true} : memref<80x128xf32, #tpu.memory_space<vmem>>[vector<16xi32>, vector<16xi32>], vector<16xf32>,
      %get3A_26 = arith.constant 32 : index
      %get3A_27 = tpu.vector_load %arg5[%get3A_26] {strides = array<i32>} : memref<128xi32, #tpu.memory_space<vmem>>, vector<16xi32>,
      %shift_right_arithmetic3A_28 = arith.constant 7 : i32
      %shift_right_arithmetic3A_29 = vector.broadcast %shift_right_arithmetic3A_28 : i32 to vector<16xi32>
      %shift_right_arithmetic3A_30 = arith.shrsi %get3A_27, %shift_right_arithmetic3A_29 : vector<16xi32>
      %and3A_31 = arith.constant 127 : i32
      %and3A_32 = vector.broadcast %and3A_31 : i32 to vector<16xi32>
      %and3A_33 = arith.andi %get3A_27, %and3A_32 : vector<16xi32>
      tpu.vector_store_idx %arg6[%shift_right_arithmetic3A_30, %and3A_33], %broadcast_in_dim3A_1 {add = true} : memref<80x128xf32, #tpu.memory_space<vmem>>[vector<16xi32>, vector<16xi32>], vector<16xf32>,
      %get3A_34 = arith.constant 48 : index
      %get3A_35 = tpu.vector_load %arg5[%get3A_34] {strides = array<i32>} : memref<128xi32, #tpu.memory_space<vmem>>, vector<16xi32>,
      %shift_right_arithmetic3A_36 = arith.constant 7 : i32
      %shift_right_arithmetic3A_37 = vector.broadcast %shift_right_arithmetic3A_36 : i32 to vector<16xi32>
      %shift_right_arithmetic3A_38 = arith.shrsi %get3A_35, %shift_right_arithmetic3A_37 : vector<16xi32>
      %and3A_39 = arith.constant 127 : i32
      %and3A_40 = vector.broadcast %and3A_39 : i32 to vector<16xi32>
      %and3A_41 = arith.andi %get3A_35, %and3A_40 : vector<16xi32>
      tpu.vector_store_idx %arg6[%shift_right_arithmetic3A_38, %and3A_41], %broadcast_in_dim3A_1 {add = true} : memref<80x128xf32, #tpu.memory_space<vmem>>[vector<16xi32>, vector<16xi32>], vector<16xf32>,
      %get3A_42 = arith.constant 64 : index
      %get3A_43 = tpu.vector_load %arg5[%get3A_42] {strides = array<i32>} : memref<128xi32, #tpu.memory_space<vmem>>, vector<16xi32>,
      %shift_right_arithmetic3A_44 = arith.constant 7 : i32
      %shift_right_arithmetic3A_45 = vector.broadcast %shift_right_arithmetic3A_44 : i32 to vector<16xi32>
      %shift_right_arithmetic3A_46 = arith.shrsi %get3A_43, %shift_right_arithmetic3A_45 : vector<16xi32>
      %and3A_47 = arith.constant 127 : i32
      %and3A_48 = vector.broadcast %and3A_47 : i32 to vector<16xi32>
      %and3A_49 = arith.andi %get3A_43, %and3A_48 : vector<16xi32>
      tpu.vector_store_idx %arg6[%shift_right_arithmetic3A_46, %and3A_49], %broadcast_in_dim3A_1 {add = true} : memref<80x128xf32, #tpu.memory_space<vmem>>[vector<16xi32>, vector<16xi32>], vector<16xf32>,
      %get3A_50 = arith.constant 80 : index
      %get3A_51 = tpu.vector_load %arg5[%get3A_50] {strides = array<i32>} : memref<128xi32, #tpu.memory_space<vmem>>, vector<16xi32>,
      %shift_right_arithmetic3A_52 = arith.constant 7 : i32
      %shift_right_arithmetic3A_53 = vector.broadcast %shift_right_arithmetic3A_52 : i32 to vector<16xi32>
      %shift_right_arithmetic3A_54 = arith.shrsi %get3A_51, %shift_right_arithmetic3A_53 : vector<16xi32>
      %and3A_55 = arith.constant 127 : i32
      %and3A_56 = vector.broadcast %and3A_55 : i32 to vector<16xi32>
      %and3A_57 = arith.andi %get3A_51, %and3A_56 : vector<16xi32>
      tpu.vector_store_idx %arg6[%shift_right_arithmetic3A_54, %and3A_57], %broadcast_in_dim3A_1 {add = true} : memref<80x128xf32, #tpu.memory_space<vmem>>[vector<16xi32>, vector<16xi32>], vector<16xf32>,
      %get3A_58 = arith.constant 96 : index
      %get3A_59 = tpu.vector_load %arg5[%get3A_58] {strides = array<i32>} : memref<128xi32, #tpu.memory_space<vmem>>, vector<16xi32>,
      %shift_right_arithmetic3A_60 = arith.constant 7 : i32
      %shift_right_arithmetic3A_61 = vector.broadcast %shift_right_arithmetic3A_60 : i32 to vector<16xi32>
      %shift_right_arithmetic3A_62 = arith.shrsi %get3A_59, %shift_right_arithmetic3A_61 : vector<16xi32>
      %and3A_63 = arith.constant 127 : i32
      %and3A_64 = vector.broadcast %and3A_63 : i32 to vector<16xi32>
      %and3A_65 = arith.andi %get3A_59, %and3A_64 : vector<16xi32>
      tpu.vector_store_idx %arg6[%shift_right_arithmetic3A_62, %and3A_65], %broadcast_in_dim3A_1 {add = true} : memref<80x128xf32, #tpu.memory_space<vmem>>[vector<16xi32>, vector<16xi32>], vector<16xf32>,
      %get3A_66 = arith.constant 112 : index
      %get3A_67 = tpu.vector_load %arg5[%get3A_66] {strides = array<i32>} : memref<128xi32, #tpu.memory_space<vmem>>, vector<16xi32>,
      %shift_right_arithmetic3A_68 = arith.constant 7 : i32
      %shift_right_arithmetic3A_69 = vector.broadcast %shift_right_arithmetic3A_68 : i32 to vector<16xi32>
      %shift_right_arithmetic3A_70 = arith.shrsi %get3A_67, %shift_right_arithmetic3A_69 : vector<16xi32>
      %and3A_71 = arith.constant 127 : i32
      %and3A_72 = vector.broadcast %and3A_71 : i32 to vector<16xi32>
      %and3A_73 = arith.andi %get3A_67, %and3A_72 : vector<16xi32>
      tpu.vector_store_idx %arg6[%shift_right_arithmetic3A_70, %and3A_73], %broadcast_in_dim3A_1 {add = true} : memref<80x128xf32, #tpu.memory_space<vmem>>[vector<16xi32>, vector<16xi32>], vector<16xf32>,
    }
    %scan3A_6 = arith.constant 79 : i32
    "tpu.region"() ({
      %run_scoped3A = tpu.sem_alloc : memref<!tpu.dma_semaphore, #tpu.memory_space<semaphore_mem>>
      %dma_start3A = arith.constant 0 : i32
      %dma_start3A_7 = arith.constant 0 : i32
      %dma_start3A_8 = tpu.memref_slice %arg4[%add3A, %dma_start3A, %dma_start3A_7] : memref<32x80x128xf32, #tpu.memory_space<hbm>> -> memref<1x80x128xf32, #tpu.memory_space<hbm>>
      %dma_start3A_9 = tpu.memref_squeeze %dma_start3A_8 : memref<1x80x128xf32, #tpu.memory_space<hbm>> -> memref<80x128xf32, #tpu.memory_space<hbm>>
      %dma_start3A_10 = arith.constant 0 : i32
      %dma_start3A_11 = arith.constant 0 : i32
      %dma_start3A_12 = tpu.memref_slice %arg4[%add3A, %dma_start3A_10, %dma_start3A_11] : memref<32x80x128xf32, #tpu.memory_space<hbm>> -> memref<1x80x128xf32, #tpu.memory_space<hbm>>
      %dma_start3A_13 = tpu.memref_squeeze %dma_start3A_12 : memref<1x80x128xf32, #tpu.memory_space<hbm>> -> memref<80x128xf32, #tpu.memory_space<hbm>>
      tpu.enqueue_dma source(%arg6 : memref<80x128xf32, #tpu.memory_space<vmem>>) target(%dma_start3A_13 : memref<80x128xf32, #tpu.memory_space<hbm>>) target_semaphore(%run_scoped3A : memref<!tpu.dma_semaphore, #tpu.memory_space<semaphore_mem>>)
      %dma_wait3A = arith.constant 0 : i32
      %dma_wait3A_14 = arith.constant 0 : i32
      %dma_wait3A_15 = tpu.memref_slice %arg4[%add3A, %dma_wait3A, %dma_wait3A_14] : memref<32x80x128xf32, #tpu.memory_space<hbm>> -> memref<1x80x128xf32, #tpu.memory_space<hbm>>
      %dma_wait3A_16 = tpu.memref_squeeze %dma_wait3A_15 : memref<1x80x128xf32, #tpu.memory_space<hbm>> -> memref<80x128xf32, #tpu.memory_space<hbm>>
      %dma_wait3A_17 = arith.constant 0 : i32
      %dma_wait3A_18 = arith.constant 0 : i32
      %dma_wait3A_19 = tpu.memref_slice %arg4[%add3A, %dma_wait3A_17, %dma_wait3A_18] : memref<32x80x128xf32, #tpu.memory_space<hbm>> -> memref<1x80x128xf32, #tpu.memory_space<hbm>>
      %dma_wait3A_20 = tpu.memref_squeeze %dma_wait3A_19 : memref<1x80x128xf32, #tpu.memory_space<hbm>> -> memref<80x128xf32, #tpu.memory_space<hbm>>
      tpu.wait_dma2 semaphore(%run_scoped3A : memref<!tpu.dma_semaphore, #tpu.memory_space<semaphore_mem>>) src(%arg6 : memref<80x128xf32, #tpu.memory_space<vmem>>) dst(%dma_wait3A_20 : memref<80x128xf32, #tpu.memory_space<hbm>>)
      tpu.yield
    }) : () -> ()
    return
  }
}

#map = affine_map<(d0, d1) -> (0, 0)>
#map1 = affine_map<(d0, d1) -> (0)>
#map2 = affine_map<(d0, d1) -> (0, 0, 0)>
module attributes {stable_mosaic.version = 14 : i64} {
  func.func @_sc_scatter(%arg0: i32, %arg1: i32, %arg2: memref<10240x128xf32, #tpu.memory_space<hbm>>, %arg3: memref<323584xi32, #tpu.memory_space<hbm>>, %arg4: memref<323584xi32, #tpu.memory_space<hbm>>, %arg5: memref<640x128xf32, #tpu.memory_space<hbm>>, %arg6: memref<2x10240x128xf32, #tpu.memory_space<hbm>>, %arg7: memref<128xi32, #tpu.memory_space<vmem>>, %arg8: memref<128xi32, #tpu.memory_space<vmem>>, %arg9: memref<128x128xf32, #tpu.memory_space<vmem>>, %arg10: memref<10240x128xf32, #tpu.memory_space<vmem_shared>>, %arg11: memref<!tpu.dma_semaphore, #tpu.memory_space<semaphore_mem>>) attributes {dimension_semantics = [#tpu.dimension_semantics<core_parallel>, #tpu.dimension_semantics<subcore_parallel>], iteration_bounds = array<i64: 2, 16>, scalar_prefetch = 0 : i64, scratch_operands = 5 : i64, tpu.core_type = #tpu.core_type<sc_vector_subcore>, window_params = [{transform_indices = #map}, {transform_indices = #map1}, {transform_indices = #map1}, {transform_indices = #map}, {transform_indices = #map2}]} {
    %mul3A = arith.constant 16 : i32
    %mul3A_0 = arith.muli %arg0, %mul3A : i32
    %add3A = arith.addi %mul3A_0, %arg1 : i32
    %mul3A_1 = arith.constant 640 : i32
    %mul3A_2 = arith.muli %arg1, %mul3A_1 : i32
    "tpu.region"() ({
      %run_scoped3A = tpu.sem_alloc : memref<!tpu.dma_semaphore, #tpu.memory_space<semaphore_mem>>
      %dma_start3A = arith.constant 0 : i32
      %dma_start3A_13 = tpu.memref_slice %arg10[%mul3A_2, %dma_start3A] : memref<10240x128xf32, #tpu.memory_space<vmem_shared>> -> memref<640x128xf32, #tpu.memory_space<vmem_shared>>
      tpu.enqueue_dma source(%arg5 : memref<640x128xf32, #tpu.memory_space<hbm>>) target(%dma_start3A_13 : memref<640x128xf32, #tpu.memory_space<vmem_shared>>) target_semaphore(%run_scoped3A : memref<!tpu.dma_semaphore, #tpu.memory_space<semaphore_mem>>)
      %dma_wait3A = arith.constant 0 : i32
      %dma_wait3A_14 = tpu.memref_slice %arg10[%mul3A_2, %dma_wait3A] : memref<10240x128xf32, #tpu.memory_space<vmem_shared>> -> memref<640x128xf32, #tpu.memory_space<vmem_shared>>
      tpu.wait_dma2 semaphore(%run_scoped3A : memref<!tpu.dma_semaphore, #tpu.memory_space<semaphore_mem>>) src(%arg5 : memref<640x128xf32, #tpu.memory_space<hbm>>) dst(%dma_wait3A_14 : memref<640x128xf32, #tpu.memory_space<vmem_shared>>)
      tpu.yield
    }) : () -> ()
    %barrier3A = arith.constant 0 : index
    tpu.barrier barrier_id(%barrier3A)
    %scan3A = arith.constant 0 : i32
    %scan3A_3 = arith.constant 0 : i32
    %scan3A_4 = arith.constant 79 : i32
    %scan3A_5 = arith.addi %scan3A_3, %scan3A_4 : i32
    %scan3A_6 = arith.constant 1 : i32
    scf.for %scan3A_13 = %scan3A_3 to %scan3A_5 step %scan3A_6  : i32 {
      %mul3A_14 = arith.constant 10112 : i32
      %mul3A_15 = arith.muli %add3A, %mul3A_14 : i32
      %mul3A_16 = arith.constant 128 : i32
      %mul3A_17 = arith.muli %scan3A_13, %mul3A_16 : i32
      %add3A_18 = arith.addi %mul3A_15, %mul3A_17 : i32
      "tpu.region"() ({
        %run_scoped3A = tpu.sem_alloc : memref<!tpu.dma_semaphore, #tpu.memory_space<semaphore_mem>>
        %dma_start3A_23 = tpu.memref_slice %arg3[%add3A_18] : memref<323584xi32, #tpu.memory_space<hbm>> -> memref<128xi32, #tpu.memory_space<hbm>>
        %dma_start3A_24 = tpu.memref_slice %arg3[%add3A_18] : memref<323584xi32, #tpu.memory_space<hbm>> -> memref<128xi32, #tpu.memory_space<hbm>>
        tpu.enqueue_dma source(%dma_start3A_24 : memref<128xi32, #tpu.memory_space<hbm>>) target(%arg7 : memref<128xi32, #tpu.memory_space<vmem>>) target_semaphore(%run_scoped3A : memref<!tpu.dma_semaphore, #tpu.memory_space<semaphore_mem>>)
        %dma_wait3A_25 = tpu.memref_slice %arg3[%add3A_18] : memref<323584xi32, #tpu.memory_space<hbm>> -> memref<128xi32, #tpu.memory_space<hbm>>
        %dma_wait3A_26 = tpu.memref_slice %arg3[%add3A_18] : memref<323584xi32, #tpu.memory_space<hbm>> -> memref<128xi32, #tpu.memory_space<hbm>>
        tpu.wait_dma2 semaphore(%run_scoped3A : memref<!tpu.dma_semaphore, #tpu.memory_space<semaphore_mem>>) src(%dma_wait3A_26 : memref<128xi32, #tpu.memory_space<hbm>>) dst(%arg7 : memref<128xi32, #tpu.memory_space<vmem>>)
        tpu.yield
      }) : () -> ()
      "tpu.region"() ({
        %run_scoped3A = tpu.sem_alloc : memref<!tpu.dma_semaphore, #tpu.memory_space<semaphore_mem>>
        %dma_start3A_23 = tpu.memref_slice %arg4[%add3A_18] : memref<323584xi32, #tpu.memory_space<hbm>> -> memref<128xi32, #tpu.memory_space<hbm>>
        %dma_start3A_24 = tpu.memref_slice %arg4[%add3A_18] : memref<323584xi32, #tpu.memory_space<hbm>> -> memref<128xi32, #tpu.memory_space<hbm>>
        tpu.enqueue_dma source(%dma_start3A_24 : memref<128xi32, #tpu.memory_space<hbm>>) target(%arg8 : memref<128xi32, #tpu.memory_space<vmem>>) target_semaphore(%run_scoped3A : memref<!tpu.dma_semaphore, #tpu.memory_space<semaphore_mem>>)
        %dma_wait3A_25 = tpu.memref_slice %arg4[%add3A_18] : memref<323584xi32, #tpu.memory_space<hbm>> -> memref<128xi32, #tpu.memory_space<hbm>>
        %dma_wait3A_26 = tpu.memref_slice %arg4[%add3A_18] : memref<323584xi32, #tpu.memory_space<hbm>> -> memref<128xi32, #tpu.memory_space<hbm>>
        tpu.wait_dma2 semaphore(%run_scoped3A : memref<!tpu.dma_semaphore, #tpu.memory_space<semaphore_mem>>) src(%dma_wait3A_26 : memref<128xi32, #tpu.memory_space<hbm>>) dst(%arg8 : memref<128xi32, #tpu.memory_space<vmem>>)
        tpu.yield
      }) : () -> ()
      %dma_start3A = arith.constant 0 : i32
      %dma_start3A_19 = arith.constant 0 : i32
      %dma_start3A_20 = tpu.memref_slice %arg2[%dma_start3A, %dma_start3A_19] : memref<10240x128xf32, #tpu.memory_space<hbm>> -> memref<10240x128xf32, #tpu.memory_space<hbm>>
      tpu.enqueue_indirect_dma source(%dma_start3A_20 : memref<10240x128xf32, #tpu.memory_space<hbm>>) target(%arg9 : memref<128x128xf32, #tpu.memory_space<vmem>>) offsets(%arg7 : memref<128xi32, #tpu.memory_space<vmem>>) semaphore(%arg11 : memref<!tpu.dma_semaphore, #tpu.memory_space<semaphore_mem>>)
      %dma_wait3A = arith.constant 0 : i32
      %dma_wait3A_21 = arith.constant 0 : i32
      %dma_wait3A_22 = tpu.memref_slice %arg2[%dma_wait3A, %dma_wait3A_21] : memref<10240x128xf32, #tpu.memory_space<hbm>> -> memref<10240x128xf32, #tpu.memory_space<hbm>>
      tpu.wait_indirect_dma semaphore(%arg11 : memref<!tpu.dma_semaphore, #tpu.memory_space<semaphore_mem>>) src(%dma_wait3A_22 : memref<10240x128xf32, #tpu.memory_space<hbm>>) dst(%arg9 : memref<128x128xf32, #tpu.memory_space<vmem>>)
      "tpu.region"() ({
        %run_scoped3A = tpu.sem_alloc : memref<!tpu.dma_semaphore, #tpu.memory_space<semaphore_mem>>
        %dma_start3A_23 = arith.constant 0 : i32
        %dma_start3A_24 = arith.constant 0 : i32
        %dma_start3A_25 = tpu.memref_slice %arg10[%dma_start3A_23, %dma_start3A_24] : memref<10240x128xf32, #tpu.memory_space<vmem_shared>> -> memref<10240x128xf32, #tpu.memory_space<vmem_shared>>
        tpu.enqueue_indirect_dma source(%arg9 : memref<128x128xf32, #tpu.memory_space<vmem>>) target(%dma_start3A_25 : memref<10240x128xf32, #tpu.memory_space<vmem_shared>>) offsets(%arg8 : memref<128xi32, #tpu.memory_space<vmem>>) semaphore(%run_scoped3A : memref<!tpu.dma_semaphore, #tpu.memory_space<semaphore_mem>>) {add = true}
        %dma_wait3A_26 = arith.constant 0 : i32
        %dma_wait3A_27 = arith.constant 0 : i32
        %dma_wait3A_28 = tpu.memref_slice %arg10[%dma_wait3A_26, %dma_wait3A_27] : memref<10240x128xf32, #tpu.memory_space<vmem_shared>> -> memref<10240x128xf32, #tpu.memory_space<vmem_shared>>
        tpu.wait_indirect_dma semaphore(%run_scoped3A : memref<!tpu.dma_semaphore, #tpu.memory_space<semaphore_mem>>) src(%arg9 : memref<128x128xf32, #tpu.memory_space<vmem>>) dst(%dma_wait3A_28 : memref<10240x128xf32, #tpu.memory_space<vmem_shared>>)
        tpu.yield
      }) : () -> ()
    }
    %scan3A_7 = arith.constant 79 : i32
    %barrier3A_8 = arith.constant 0 : index
    tpu.barrier barrier_id(%barrier3A_8)
    %mul3A_9 = arith.constant 640 : i32
    %mul3A_10 = arith.muli %arg1, %mul3A_9 : i32
    %mul3A_11 = arith.constant 640 : i32
    %mul3A_12 = arith.muli %arg1, %mul3A_11 : i32
    "tpu.region"() ({
      %run_scoped3A = tpu.sem_alloc : memref<!tpu.dma_semaphore, #tpu.memory_space<semaphore_mem>>
      %dma_start3A = arith.constant 0 : i32
      %dma_start3A_13 = tpu.memref_slice %arg6[%arg0, %mul3A_12, %dma_start3A] : memref<2x10240x128xf32, #tpu.memory_space<hbm>> -> memref<1x640x128xf32, #tpu.memory_space<hbm>>
      %dma_start3A_14 = tpu.memref_squeeze %dma_start3A_13 : memref<1x640x128xf32, #tpu.memory_space<hbm>> -> memref<640x128xf32, #tpu.memory_space<hbm>>
      %dma_start3A_15 = arith.constant 0 : i32
      %dma_start3A_16 = tpu.memref_slice %arg10[%mul3A_10, %dma_start3A_15] : memref<10240x128xf32, #tpu.memory_space<vmem_shared>> -> memref<640x128xf32, #tpu.memory_space<vmem_shared>>
      tpu.enqueue_dma source(%dma_start3A_16 : memref<640x128xf32, #tpu.memory_space<vmem_shared>>) target(%dma_start3A_14 : memref<640x128xf32, #tpu.memory_space<hbm>>) target_semaphore(%run_scoped3A : memref<!tpu.dma_semaphore, #tpu.memory_space<semaphore_mem>>)
      %dma_wait3A = arith.constant 0 : i32
      %dma_wait3A_17 = tpu.memref_slice %arg6[%arg0, %mul3A_12, %dma_wait3A] : memref<2x10240x128xf32, #tpu.memory_space<hbm>> -> memref<1x640x128xf32, #tpu.memory_space<hbm>>
      %dma_wait3A_18 = tpu.memref_squeeze %dma_wait3A_17 : memref<1x640x128xf32, #tpu.memory_space<hbm>> -> memref<640x128xf32, #tpu.memory_space<hbm>>
      %dma_wait3A_19 = arith.constant 0 : i32
      %dma_wait3A_20 = tpu.memref_slice %arg10[%mul3A_10, %dma_wait3A_19] : memref<10240x128xf32, #tpu.memory_space<vmem_shared>> -> memref<640x128xf32, #tpu.memory_space<vmem_shared>>
      tpu.wait_dma2 semaphore(%run_scoped3A : memref<!tpu.dma_semaphore, #tpu.memory_space<semaphore_mem>>) src(%dma_wait3A_20 : memref<640x128xf32, #tpu.memory_space<vmem_shared>>) dst(%dma_wait3A_18 : memref<640x128xf32, #tpu.memory_space<hbm>>)
      tpu.yield
    }) : () -> ()
    return
  }
}

#map = affine_map<(d0, d1) -> (0, 0)>
#map1 = affine_map<(d0, d1) -> (0)>
#map2 = affine_map<(d0, d1) -> (0, 0, 0)>
module attributes {stable_mosaic.version = 14 : i64} {
  func.func @_sc_scatter_t(%arg0: i32, %arg1: i32, %arg2: memref<10240x128xf32, #tpu.memory_space<hbm>>, %arg3: memref<80x128xf32, #tpu.memory_space<hbm>>, %arg4: memref<323584xi32, #tpu.memory_space<hbm>>, %arg5: memref<323584xi32, #tpu.memory_space<hbm>>, %arg6: memref<640x128xf32, #tpu.memory_space<hbm>>, %arg7: memref<80x128xf32, #tpu.memory_space<hbm>>, %arg8: memref<2x10240x128xf32, #tpu.memory_space<hbm>>, %arg9: memref<32x80x128xf32, #tpu.memory_space<hbm>>, %arg10: memref<128xi32, #tpu.memory_space<vmem>>, %arg11: memref<128xi32, #tpu.memory_space<vmem>>, %arg12: memref<128x128xf32, #tpu.memory_space<vmem>>, %arg13: memref<80x128xf32, #tpu.memory_space<vmem>>, %arg14: memref<80x128xf32, #tpu.memory_space<vmem>>, %arg15: memref<10240x128xf32, #tpu.memory_space<vmem_shared>>, %arg16: memref<!tpu.dma_semaphore, #tpu.memory_space<semaphore_mem>>) attributes {dimension_semantics = [#tpu.dimension_semantics<core_parallel>, #tpu.dimension_semantics<subcore_parallel>], iteration_bounds = array<i64: 2, 16>, scalar_prefetch = 0 : i64, scratch_operands = 7 : i64, tpu.core_type = #tpu.core_type<sc_vector_subcore>, window_params = [{transform_indices = #map}, {transform_indices = #map}, {transform_indices = #map1}, {transform_indices = #map1}, {transform_indices = #map}, {transform_indices = #map}, {transform_indices = #map2}, {transform_indices = #map2}]} {
    %mul3A = arith.constant 16 : i32
    %mul3A_0 = arith.muli %arg0, %mul3A : i32
    %add3A = arith.addi %mul3A_0, %arg1 : i32
    %mul3A_1 = arith.constant 640 : i32
    %mul3A_2 = arith.muli %arg1, %mul3A_1 : i32
    "tpu.region"() ({
      %run_scoped3A = tpu.sem_alloc : memref<!tpu.dma_semaphore, #tpu.memory_space<semaphore_mem>>
      %dma_start3A = arith.constant 0 : i32
      %dma_start3A_13 = tpu.memref_slice %arg15[%mul3A_2, %dma_start3A] : memref<10240x128xf32, #tpu.memory_space<vmem_shared>> -> memref<640x128xf32, #tpu.memory_space<vmem_shared>>
      tpu.enqueue_dma source(%arg6 : memref<640x128xf32, #tpu.memory_space<hbm>>) target(%dma_start3A_13 : memref<640x128xf32, #tpu.memory_space<vmem_shared>>) target_semaphore(%run_scoped3A : memref<!tpu.dma_semaphore, #tpu.memory_space<semaphore_mem>>)
      %dma_wait3A = arith.constant 0 : i32
      %dma_wait3A_14 = tpu.memref_slice %arg15[%mul3A_2, %dma_wait3A] : memref<10240x128xf32, #tpu.memory_space<vmem_shared>> -> memref<640x128xf32, #tpu.memory_space<vmem_shared>>
      tpu.wait_dma2 semaphore(%run_scoped3A : memref<!tpu.dma_semaphore, #tpu.memory_space<semaphore_mem>>) src(%arg6 : memref<640x128xf32, #tpu.memory_space<hbm>>) dst(%dma_wait3A_14 : memref<640x128xf32, #tpu.memory_space<vmem_shared>>)
      tpu.yield
    }) : () -> ()
    "tpu.region"() ({
      %run_scoped3A = tpu.sem_alloc : memref<!tpu.dma_semaphore, #tpu.memory_space<semaphore_mem>>
      tpu.enqueue_dma source(%arg7 : memref<80x128xf32, #tpu.memory_space<hbm>>) target(%arg14 : memref<80x128xf32, #tpu.memory_space<vmem>>) target_semaphore(%run_scoped3A : memref<!tpu.dma_semaphore, #tpu.memory_space<semaphore_mem>>)
      tpu.wait_dma2 semaphore(%run_scoped3A : memref<!tpu.dma_semaphore, #tpu.memory_space<semaphore_mem>>) src(%arg7 : memref<80x128xf32, #tpu.memory_space<hbm>>) dst(%arg14 : memref<80x128xf32, #tpu.memory_space<vmem>>)
      tpu.yield
    }) : () -> ()
    "tpu.region"() ({
      %run_scoped3A = tpu.sem_alloc : memref<!tpu.dma_semaphore, #tpu.memory_space<semaphore_mem>>
      tpu.enqueue_dma source(%arg3 : memref<80x128xf32, #tpu.memory_space<hbm>>) target(%arg13 : memref<80x128xf32, #tpu.memory_space<vmem>>) target_semaphore(%run_scoped3A : memref<!tpu.dma_semaphore, #tpu.memory_space<semaphore_mem>>)
      tpu.wait_dma2 semaphore(%run_scoped3A : memref<!tpu.dma_semaphore, #tpu.memory_space<semaphore_mem>>) src(%arg3 : memref<80x128xf32, #tpu.memory_space<hbm>>) dst(%arg13 : memref<80x128xf32, #tpu.memory_space<vmem>>)
      tpu.yield
    }) : () -> ()
    %barrier3A = arith.constant 0 : index
    tpu.barrier barrier_id(%barrier3A)
    %scan3A = arith.constant 0 : i32
    %scan3A_3 = arith.constant 0 : i32
    %scan3A_4 = arith.constant 79 : i32
    %scan3A_5 = arith.addi %scan3A_3, %scan3A_4 : i32
    %scan3A_6 = arith.constant 1 : i32
    scf.for %scan3A_13 = %scan3A_3 to %scan3A_5 step %scan3A_6  : i32 {
      %mul3A_14 = arith.constant 10112 : i32
      %mul3A_15 = arith.muli %add3A, %mul3A_14 : i32
      %mul3A_16 = arith.constant 128 : i32
      %mul3A_17 = arith.muli %scan3A_13, %mul3A_16 : i32
      %add3A_18 = arith.addi %mul3A_15, %mul3A_17 : i32
      "tpu.region"() ({
        %run_scoped3A = tpu.sem_alloc : memref<!tpu.dma_semaphore, #tpu.memory_space<semaphore_mem>>
        %dma_start3A_155 = tpu.memref_slice %arg4[%add3A_18] : memref<323584xi32, #tpu.memory_space<hbm>> -> memref<128xi32, #tpu.memory_space<hbm>>
        %dma_start3A_156 = tpu.memref_slice %arg4[%add3A_18] : memref<323584xi32, #tpu.memory_space<hbm>> -> memref<128xi32, #tpu.memory_space<hbm>>
        tpu.enqueue_dma source(%dma_start3A_156 : memref<128xi32, #tpu.memory_space<hbm>>) target(%arg10 : memref<128xi32, #tpu.memory_space<vmem>>) target_semaphore(%run_scoped3A : memref<!tpu.dma_semaphore, #tpu.memory_space<semaphore_mem>>)
        %dma_wait3A_157 = tpu.memref_slice %arg4[%add3A_18] : memref<323584xi32, #tpu.memory_space<hbm>> -> memref<128xi32, #tpu.memory_space<hbm>>
        %dma_wait3A_158 = tpu.memref_slice %arg4[%add3A_18] : memref<323584xi32, #tpu.memory_space<hbm>> -> memref<128xi32, #tpu.memory_space<hbm>>
        tpu.wait_dma2 semaphore(%run_scoped3A : memref<!tpu.dma_semaphore, #tpu.memory_space<semaphore_mem>>) src(%dma_wait3A_158 : memref<128xi32, #tpu.memory_space<hbm>>) dst(%arg10 : memref<128xi32, #tpu.memory_space<vmem>>)
        tpu.yield
      }) : () -> ()
      "tpu.region"() ({
        %run_scoped3A = tpu.sem_alloc : memref<!tpu.dma_semaphore, #tpu.memory_space<semaphore_mem>>
        %dma_start3A_155 = tpu.memref_slice %arg5[%add3A_18] : memref<323584xi32, #tpu.memory_space<hbm>> -> memref<128xi32, #tpu.memory_space<hbm>>
        %dma_start3A_156 = tpu.memref_slice %arg5[%add3A_18] : memref<323584xi32, #tpu.memory_space<hbm>> -> memref<128xi32, #tpu.memory_space<hbm>>
        tpu.enqueue_dma source(%dma_start3A_156 : memref<128xi32, #tpu.memory_space<hbm>>) target(%arg11 : memref<128xi32, #tpu.memory_space<vmem>>) target_semaphore(%run_scoped3A : memref<!tpu.dma_semaphore, #tpu.memory_space<semaphore_mem>>)
        %dma_wait3A_157 = tpu.memref_slice %arg5[%add3A_18] : memref<323584xi32, #tpu.memory_space<hbm>> -> memref<128xi32, #tpu.memory_space<hbm>>
        %dma_wait3A_158 = tpu.memref_slice %arg5[%add3A_18] : memref<323584xi32, #tpu.memory_space<hbm>> -> memref<128xi32, #tpu.memory_space<hbm>>
        tpu.wait_dma2 semaphore(%run_scoped3A : memref<!tpu.dma_semaphore, #tpu.memory_space<semaphore_mem>>) src(%dma_wait3A_158 : memref<128xi32, #tpu.memory_space<hbm>>) dst(%arg11 : memref<128xi32, #tpu.memory_space<vmem>>)
        tpu.yield
      }) : () -> ()
      %dma_start3A = arith.constant 0 : i32
      %dma_start3A_19 = arith.constant 0 : i32
      %dma_start3A_20 = tpu.memref_slice %arg2[%dma_start3A, %dma_start3A_19] : memref<10240x128xf32, #tpu.memory_space<hbm>> -> memref<10240x128xf32, #tpu.memory_space<hbm>>
      tpu.enqueue_indirect_dma source(%dma_start3A_20 : memref<10240x128xf32, #tpu.memory_space<hbm>>) target(%arg12 : memref<128x128xf32, #tpu.memory_space<vmem>>) offsets(%arg10 : memref<128xi32, #tpu.memory_space<vmem>>) semaphore(%arg16 : memref<!tpu.dma_semaphore, #tpu.memory_space<semaphore_mem>>)
      %dma_wait3A = arith.constant 0 : i32
      %dma_wait3A_21 = arith.constant 0 : i32
      %dma_wait3A_22 = tpu.memref_slice %arg2[%dma_wait3A, %dma_wait3A_21] : memref<10240x128xf32, #tpu.memory_space<hbm>> -> memref<10240x128xf32, #tpu.memory_space<hbm>>
      tpu.wait_indirect_dma semaphore(%arg16 : memref<!tpu.dma_semaphore, #tpu.memory_space<semaphore_mem>>) src(%dma_wait3A_22 : memref<10240x128xf32, #tpu.memory_space<hbm>>) dst(%arg12 : memref<128x128xf32, #tpu.memory_space<vmem>>)
      "tpu.region"() ({
        %run_scoped3A = tpu.sem_alloc : memref<!tpu.dma_semaphore, #tpu.memory_space<semaphore_mem>>
        %dma_start3A_155 = arith.constant 0 : i32
        %dma_start3A_156 = arith.constant 0 : i32
        %dma_start3A_157 = tpu.memref_slice %arg15[%dma_start3A_155, %dma_start3A_156] : memref<10240x128xf32, #tpu.memory_space<vmem_shared>> -> memref<10240x128xf32, #tpu.memory_space<vmem_shared>>
        tpu.enqueue_indirect_dma source(%arg12 : memref<128x128xf32, #tpu.memory_space<vmem>>) target(%dma_start3A_157 : memref<10240x128xf32, #tpu.memory_space<vmem_shared>>) offsets(%arg11 : memref<128xi32, #tpu.memory_space<vmem>>) semaphore(%run_scoped3A : memref<!tpu.dma_semaphore, #tpu.memory_space<semaphore_mem>>) {add = true}
        %dma_wait3A_158 = arith.constant 0 : i32
        %dma_wait3A_159 = arith.constant 0 : i32
        %dma_wait3A_160 = tpu.memref_slice %arg15[%dma_wait3A_158, %dma_wait3A_159] : memref<10240x128xf32, #tpu.memory_space<vmem_shared>> -> memref<10240x128xf32, #tpu.memory_space<vmem_shared>>
        tpu.wait_indirect_dma semaphore(%run_scoped3A : memref<!tpu.dma_semaphore, #tpu.memory_space<semaphore_mem>>) src(%arg12 : memref<128x128xf32, #tpu.memory_space<vmem>>) dst(%dma_wait3A_160 : memref<10240x128xf32, #tpu.memory_space<vmem_shared>>)
        tpu.yield
      }) : () -> ()
      %get3A = arith.constant 0 : index
      %get3A_23 = tpu.vector_load %arg11[%get3A] {strides = array<i32>} : memref<128xi32, #tpu.memory_space<vmem>>, vector<16xi32>,
      %get3A_24 = arith.constant 0 : index
      %get3A_25 = tpu.vector_load %arg10[%get3A_24] {strides = array<i32>} : memref<128xi32, #tpu.memory_space<vmem>>, vector<16xi32>,
      %shift_right_arithmetic3A = arith.constant 7 : i32
      %shift_right_arithmetic3A_26 = vector.broadcast %shift_right_arithmetic3A : i32 to vector<16xi32>
      %shift_right_arithmetic3A_27 = arith.shrsi %get3A_23, %shift_right_arithmetic3A_26 : vector<16xi32>
      %and3A = arith.constant 127 : i32
      %and3A_28 = vector.broadcast %and3A : i32 to vector<16xi32>
      %and3A_29 = arith.andi %get3A_23, %and3A_28 : vector<16xi32>
      %gather3A = tpu.vector_load_idx %arg13[%shift_right_arithmetic3A_27, %and3A_29] : memref<80x128xf32, #tpu.memory_space<vmem>>[vector<16xi32>, vector<16xi32>], vector<16xf32>,
      %shift_right_arithmetic3A_30 = arith.constant 7 : i32
      %shift_right_arithmetic3A_31 = vector.broadcast %shift_right_arithmetic3A_30 : i32 to vector<16xi32>
      %shift_right_arithmetic3A_32 = arith.shrsi %get3A_25, %shift_right_arithmetic3A_31 : vector<16xi32>
      %and3A_33 = arith.constant 127 : i32
      %and3A_34 = vector.broadcast %and3A_33 : i32 to vector<16xi32>
      %and3A_35 = arith.andi %get3A_25, %and3A_34 : vector<16xi32>
      tpu.vector_store_idx %arg14[%shift_right_arithmetic3A_32, %and3A_35], %gather3A {add = true} : memref<80x128xf32, #tpu.memory_space<vmem>>[vector<16xi32>, vector<16xi32>], vector<16xf32>,
      %get3A_36 = arith.constant 16 : index
      %get3A_37 = tpu.vector_load %arg11[%get3A_36] {strides = array<i32>} : memref<128xi32, #tpu.memory_space<vmem>>, vector<16xi32>,
      %get3A_38 = arith.constant 16 : index
      %get3A_39 = tpu.vector_load %arg10[%get3A_38] {strides = array<i32>} : memref<128xi32, #tpu.memory_space<vmem>>, vector<16xi32>,
      %shift_right_arithmetic3A_40 = arith.constant 7 : i32
      %shift_right_arithmetic3A_41 = vector.broadcast %shift_right_arithmetic3A_40 : i32 to vector<16xi32>
      %shift_right_arithmetic3A_42 = arith.shrsi %get3A_37, %shift_right_arithmetic3A_41 : vector<16xi32>
      %and3A_43 = arith.constant 127 : i32
      %and3A_44 = vector.broadcast %and3A_43 : i32 to vector<16xi32>
      %and3A_45 = arith.andi %get3A_37, %and3A_44 : vector<16xi32>
      %gather3A_46 = tpu.vector_load_idx %arg13[%shift_right_arithmetic3A_42, %and3A_45] : memref<80x128xf32, #tpu.memory_space<vmem>>[vector<16xi32>, vector<16xi32>], vector<16xf32>,
      %shift_right_arithmetic3A_47 = arith.constant 7 : i32
      %shift_right_arithmetic3A_48 = vector.broadcast %shift_right_arithmetic3A_47 : i32 to vector<16xi32>
      %shift_right_arithmetic3A_49 = arith.shrsi %get3A_39, %shift_right_arithmetic3A_48 : vector<16xi32>
      %and3A_50 = arith.constant 127 : i32
      %and3A_51 = vector.broadcast %and3A_50 : i32 to vector<16xi32>
      %and3A_52 = arith.andi %get3A_39, %and3A_51 : vector<16xi32>
      tpu.vector_store_idx %arg14[%shift_right_arithmetic3A_49, %and3A_52], %gather3A_46 {add = true} : memref<80x128xf32, #tpu.memory_space<vmem>>[vector<16xi32>, vector<16xi32>], vector<16xf32>,
      %get3A_53 = arith.constant 32 : index
      %get3A_54 = tpu.vector_load %arg11[%get3A_53] {strides = array<i32>} : memref<128xi32, #tpu.memory_space<vmem>>, vector<16xi32>,
      %get3A_55 = arith.constant 32 : index
      %get3A_56 = tpu.vector_load %arg10[%get3A_55] {strides = array<i32>} : memref<128xi32, #tpu.memory_space<vmem>>, vector<16xi32>,
      %shift_right_arithmetic3A_57 = arith.constant 7 : i32
      %shift_right_arithmetic3A_58 = vector.broadcast %shift_right_arithmetic3A_57 : i32 to vector<16xi32>
      %shift_right_arithmetic3A_59 = arith.shrsi %get3A_54, %shift_right_arithmetic3A_58 : vector<16xi32>
      %and3A_60 = arith.constant 127 : i32
      %and3A_61 = vector.broadcast %and3A_60 : i32 to vector<16xi32>
      %and3A_62 = arith.andi %get3A_54, %and3A_61 : vector<16xi32>
      %gather3A_63 = tpu.vector_load_idx %arg13[%shift_right_arithmetic3A_59, %and3A_62] : memref<80x128xf32, #tpu.memory_space<vmem>>[vector<16xi32>, vector<16xi32>], vector<16xf32>,
      %shift_right_arithmetic3A_64 = arith.constant 7 : i32
      %shift_right_arithmetic3A_65 = vector.broadcast %shift_right_arithmetic3A_64 : i32 to vector<16xi32>
      %shift_right_arithmetic3A_66 = arith.shrsi %get3A_56, %shift_right_arithmetic3A_65 : vector<16xi32>
      %and3A_67 = arith.constant 127 : i32
      %and3A_68 = vector.broadcast %and3A_67 : i32 to vector<16xi32>
      %and3A_69 = arith.andi %get3A_56, %and3A_68 : vector<16xi32>
      tpu.vector_store_idx %arg14[%shift_right_arithmetic3A_66, %and3A_69], %gather3A_63 {add = true} : memref<80x128xf32, #tpu.memory_space<vmem>>[vector<16xi32>, vector<16xi32>], vector<16xf32>,
      %get3A_70 = arith.constant 48 : index
      %get3A_71 = tpu.vector_load %arg11[%get3A_70] {strides = array<i32>} : memref<128xi32, #tpu.memory_space<vmem>>, vector<16xi32>,
      %get3A_72 = arith.constant 48 : index
      %get3A_73 = tpu.vector_load %arg10[%get3A_72] {strides = array<i32>} : memref<128xi32, #tpu.memory_space<vmem>>, vector<16xi32>,
      %shift_right_arithmetic3A_74 = arith.constant 7 : i32
      %shift_right_arithmetic3A_75 = vector.broadcast %shift_right_arithmetic3A_74 : i32 to vector<16xi32>
      %shift_right_arithmetic3A_76 = arith.shrsi %get3A_71, %shift_right_arithmetic3A_75 : vector<16xi32>
      %and3A_77 = arith.constant 127 : i32
      %and3A_78 = vector.broadcast %and3A_77 : i32 to vector<16xi32>
      %and3A_79 = arith.andi %get3A_71, %and3A_78 : vector<16xi32>
      %gather3A_80 = tpu.vector_load_idx %arg13[%shift_right_arithmetic3A_76, %and3A_79] : memref<80x128xf32, #tpu.memory_space<vmem>>[vector<16xi32>, vector<16xi32>], vector<16xf32>,
      %shift_right_arithmetic3A_81 = arith.constant 7 : i32
      %shift_right_arithmetic3A_82 = vector.broadcast %shift_right_arithmetic3A_81 : i32 to vector<16xi32>
      %shift_right_arithmetic3A_83 = arith.shrsi %get3A_73, %shift_right_arithmetic3A_82 : vector<16xi32>
      %and3A_84 = arith.constant 127 : i32
      %and3A_85 = vector.broadcast %and3A_84 : i32 to vector<16xi32>
      %and3A_86 = arith.andi %get3A_73, %and3A_85 : vector<16xi32>
      tpu.vector_store_idx %arg14[%shift_right_arithmetic3A_83, %and3A_86], %gather3A_80 {add = true} : memref<80x128xf32, #tpu.memory_space<vmem>>[vector<16xi32>, vector<16xi32>], vector<16xf32>,
      %get3A_87 = arith.constant 64 : index
      %get3A_88 = tpu.vector_load %arg11[%get3A_87] {strides = array<i32>} : memref<128xi32, #tpu.memory_space<vmem>>, vector<16xi32>,
      %get3A_89 = arith.constant 64 : index
      %get3A_90 = tpu.vector_load %arg10[%get3A_89] {strides = array<i32>} : memref<128xi32, #tpu.memory_space<vmem>>, vector<16xi32>,
      %shift_right_arithmetic3A_91 = arith.constant 7 : i32
      %shift_right_arithmetic3A_92 = vector.broadcast %shift_right_arithmetic3A_91 : i32 to vector<16xi32>
      %shift_right_arithmetic3A_93 = arith.shrsi %get3A_88, %shift_right_arithmetic3A_92 : vector<16xi32>
      %and3A_94 = arith.constant 127 : i32
      %and3A_95 = vector.broadcast %and3A_94 : i32 to vector<16xi32>
      %and3A_96 = arith.andi %get3A_88, %and3A_95 : vector<16xi32>
      %gather3A_97 = tpu.vector_load_idx %arg13[%shift_right_arithmetic3A_93, %and3A_96] : memref<80x128xf32, #tpu.memory_space<vmem>>[vector<16xi32>, vector<16xi32>], vector<16xf32>,
      %shift_right_arithmetic3A_98 = arith.constant 7 : i32
      %shift_right_arithmetic3A_99 = vector.broadcast %shift_right_arithmetic3A_98 : i32 to vector<16xi32>
      %shift_right_arithmetic3A_100 = arith.shrsi %get3A_90, %shift_right_arithmetic3A_99 : vector<16xi32>
      %and3A_101 = arith.constant 127 : i32
      %and3A_102 = vector.broadcast %and3A_101 : i32 to vector<16xi32>
      %and3A_103 = arith.andi %get3A_90, %and3A_102 : vector<16xi32>
      tpu.vector_store_idx %arg14[%shift_right_arithmetic3A_100, %and3A_103], %gather3A_97 {add = true} : memref<80x128xf32, #tpu.memory_space<vmem>>[vector<16xi32>, vector<16xi32>], vector<16xf32>,
      %get3A_104 = arith.constant 80 : index
      %get3A_105 = tpu.vector_load %arg11[%get3A_104] {strides = array<i32>} : memref<128xi32, #tpu.memory_space<vmem>>, vector<16xi32>,
      %get3A_106 = arith.constant 80 : index
      %get3A_107 = tpu.vector_load %arg10[%get3A_106] {strides = array<i32>} : memref<128xi32, #tpu.memory_space<vmem>>, vector<16xi32>,
      %shift_right_arithmetic3A_108 = arith.constant 7 : i32
      %shift_right_arithmetic3A_109 = vector.broadcast %shift_right_arithmetic3A_108 : i32 to vector<16xi32>
      %shift_right_arithmetic3A_110 = arith.shrsi %get3A_105, %shift_right_arithmetic3A_109 : vector<16xi32>
      %and3A_111 = arith.constant 127 : i32
      %and3A_112 = vector.broadcast %and3A_111 : i32 to vector<16xi32>
      %and3A_113 = arith.andi %get3A_105, %and3A_112 : vector<16xi32>
      %gather3A_114 = tpu.vector_load_idx %arg13[%shift_right_arithmetic3A_110, %and3A_113] : memref<80x128xf32, #tpu.memory_space<vmem>>[vector<16xi32>, vector<16xi32>], vector<16xf32>,
      %shift_right_arithmetic3A_115 = arith.constant 7 : i32
      %shift_right_arithmetic3A_116 = vector.broadcast %shift_right_arithmetic3A_115 : i32 to vector<16xi32>
      %shift_right_arithmetic3A_117 = arith.shrsi %get3A_107, %shift_right_arithmetic3A_116 : vector<16xi32>
      %and3A_118 = arith.constant 127 : i32
      %and3A_119 = vector.broadcast %and3A_118 : i32 to vector<16xi32>
      %and3A_120 = arith.andi %get3A_107, %and3A_119 : vector<16xi32>
      tpu.vector_store_idx %arg14[%shift_right_arithmetic3A_117, %and3A_120], %gather3A_114 {add = true} : memref<80x128xf32, #tpu.memory_space<vmem>>[vector<16xi32>, vector<16xi32>], vector<16xf32>,
      %get3A_121 = arith.constant 96 : index
      %get3A_122 = tpu.vector_load %arg11[%get3A_121] {strides = array<i32>} : memref<128xi32, #tpu.memory_space<vmem>>, vector<16xi32>,
      %get3A_123 = arith.constant 96 : index
      %get3A_124 = tpu.vector_load %arg10[%get3A_123] {strides = array<i32>} : memref<128xi32, #tpu.memory_space<vmem>>, vector<16xi32>,
      %shift_right_arithmetic3A_125 = arith.constant 7 : i32
      %shift_right_arithmetic3A_126 = vector.broadcast %shift_right_arithmetic3A_125 : i32 to vector<16xi32>
      %shift_right_arithmetic3A_127 = arith.shrsi %get3A_122, %shift_right_arithmetic3A_126 : vector<16xi32>
      %and3A_128 = arith.constant 127 : i32
      %and3A_129 = vector.broadcast %and3A_128 : i32 to vector<16xi32>
      %and3A_130 = arith.andi %get3A_122, %and3A_129 : vector<16xi32>
      %gather3A_131 = tpu.vector_load_idx %arg13[%shift_right_arithmetic3A_127, %and3A_130] : memref<80x128xf32, #tpu.memory_space<vmem>>[vector<16xi32>, vector<16xi32>], vector<16xf32>,
      %shift_right_arithmetic3A_132 = arith.constant 7 : i32
      %shift_right_arithmetic3A_133 = vector.broadcast %shift_right_arithmetic3A_132 : i32 to vector<16xi32>
      %shift_right_arithmetic3A_134 = arith.shrsi %get3A_124, %shift_right_arithmetic3A_133 : vector<16xi32>
      %and3A_135 = arith.constant 127 : i32
      %and3A_136 = vector.broadcast %and3A_135 : i32 to vector<16xi32>
      %and3A_137 = arith.andi %get3A_124, %and3A_136 : vector<16xi32>
      tpu.vector_store_idx %arg14[%shift_right_arithmetic3A_134, %and3A_137], %gather3A_131 {add = true} : memref<80x128xf32, #tpu.memory_space<vmem>>[vector<16xi32>, vector<16xi32>], vector<16xf32>,
      %get3A_138 = arith.constant 112 : index
      %get3A_139 = tpu.vector_load %arg11[%get3A_138] {strides = array<i32>} : memref<128xi32, #tpu.memory_space<vmem>>, vector<16xi32>,
      %get3A_140 = arith.constant 112 : index
      %get3A_141 = tpu.vector_load %arg10[%get3A_140] {strides = array<i32>} : memref<128xi32, #tpu.memory_space<vmem>>, vector<16xi32>,
      %shift_right_arithmetic3A_142 = arith.constant 7 : i32
      %shift_right_arithmetic3A_143 = vector.broadcast %shift_right_arithmetic3A_142 : i32 to vector<16xi32>
      %shift_right_arithmetic3A_144 = arith.shrsi %get3A_139, %shift_right_arithmetic3A_143 : vector<16xi32>
      %and3A_145 = arith.constant 127 : i32
      %and3A_146 = vector.broadcast %and3A_145 : i32 to vector<16xi32>
      %and3A_147 = arith.andi %get3A_139, %and3A_146 : vector<16xi32>
      %gather3A_148 = tpu.vector_load_idx %arg13[%shift_right_arithmetic3A_144, %and3A_147] : memref<80x128xf32, #tpu.memory_space<vmem>>[vector<16xi32>, vector<16xi32>], vector<16xf32>,
      %shift_right_arithmetic3A_149 = arith.constant 7 : i32
      %shift_right_arithmetic3A_150 = vector.broadcast %shift_right_arithmetic3A_149 : i32 to vector<16xi32>
      %shift_right_arithmetic3A_151 = arith.shrsi %get3A_141, %shift_right_arithmetic3A_150 : vector<16xi32>
      %and3A_152 = arith.constant 127 : i32
      %and3A_153 = vector.broadcast %and3A_152 : i32 to vector<16xi32>
      %and3A_154 = arith.andi %get3A_141, %and3A_153 : vector<16xi32>
      tpu.vector_store_idx %arg14[%shift_right_arithmetic3A_151, %and3A_154], %gather3A_148 {add = true} : memref<80x128xf32, #tpu.memory_space<vmem>>[vector<16xi32>, vector<16xi32>], vector<16xf32>,
    }
    %scan3A_7 = arith.constant 79 : i32
    %barrier3A_8 = arith.constant 0 : index
    tpu.barrier barrier_id(%barrier3A_8)
    %mul3A_9 = arith.constant 640 : i32
    %mul3A_10 = arith.muli %arg1, %mul3A_9 : i32
    %mul3A_11 = arith.constant 640 : i32
    %mul3A_12 = arith.muli %arg1, %mul3A_11 : i32
    "tpu.region"() ({
      %run_scoped3A = tpu.sem_alloc : memref<!tpu.dma_semaphore, #tpu.memory_space<semaphore_mem>>
      %dma_start3A = arith.constant 0 : i32
      %dma_start3A_13 = tpu.memref_slice %arg8[%arg0, %mul3A_12, %dma_start3A] : memref<2x10240x128xf32, #tpu.memory_space<hbm>> -> memref<1x640x128xf32, #tpu.memory_space<hbm>>
      %dma_start3A_14 = tpu.memref_squeeze %dma_start3A_13 : memref<1x640x128xf32, #tpu.memory_space<hbm>> -> memref<640x128xf32, #tpu.memory_space<hbm>>
      %dma_start3A_15 = arith.constant 0 : i32
      %dma_start3A_16 = tpu.memref_slice %arg15[%mul3A_10, %dma_start3A_15] : memref<10240x128xf32, #tpu.memory_space<vmem_shared>> -> memref<640x128xf32, #tpu.memory_space<vmem_shared>>
      tpu.enqueue_dma source(%dma_start3A_16 : memref<640x128xf32, #tpu.memory_space<vmem_shared>>) target(%dma_start3A_14 : memref<640x128xf32, #tpu.memory_space<hbm>>) target_semaphore(%run_scoped3A : memref<!tpu.dma_semaphore, #tpu.memory_space<semaphore_mem>>)
      %dma_wait3A = arith.constant 0 : i32
      %dma_wait3A_17 = tpu.memref_slice %arg8[%arg0, %mul3A_12, %dma_wait3A] : memref<2x10240x128xf32, #tpu.memory_space<hbm>> -> memref<1x640x128xf32, #tpu.memory_space<hbm>>
      %dma_wait3A_18 = tpu.memref_squeeze %dma_wait3A_17 : memref<1x640x128xf32, #tpu.memory_space<hbm>> -> memref<640x128xf32, #tpu.memory_space<hbm>>
      %dma_wait3A_19 = arith.constant 0 : i32
      %dma_wait3A_20 = tpu.memref_slice %arg15[%mul3A_10, %dma_wait3A_19] : memref<10240x128xf32, #tpu.memory_space<vmem_shared>> -> memref<640x128xf32, #tpu.memory_space<vmem_shared>>
      tpu.wait_dma2 semaphore(%run_scoped3A : memref<!tpu.dma_semaphore, #tpu.memory_space<semaphore_mem>>) src(%dma_wait3A_20 : memref<640x128xf32, #tpu.memory_space<vmem_shared>>) dst(%dma_wait3A_18 : memref<640x128xf32, #tpu.memory_space<hbm>>)
      tpu.yield
    }) : () -> ()
    "tpu.region"() ({
      %run_scoped3A = tpu.sem_alloc : memref<!tpu.dma_semaphore, #tpu.memory_space<semaphore_mem>>
      %dma_start3A = arith.constant 0 : i32
      %dma_start3A_13 = arith.constant 0 : i32
      %dma_start3A_14 = tpu.memref_slice %arg9[%add3A, %dma_start3A, %dma_start3A_13] : memref<32x80x128xf32, #tpu.memory_space<hbm>> -> memref<1x80x128xf32, #tpu.memory_space<hbm>>
      %dma_start3A_15 = tpu.memref_squeeze %dma_start3A_14 : memref<1x80x128xf32, #tpu.memory_space<hbm>> -> memref<80x128xf32, #tpu.memory_space<hbm>>
      %dma_start3A_16 = arith.constant 0 : i32
      %dma_start3A_17 = arith.constant 0 : i32
      %dma_start3A_18 = tpu.memref_slice %arg9[%add3A, %dma_start3A_16, %dma_start3A_17] : memref<32x80x128xf32, #tpu.memory_space<hbm>> -> memref<1x80x128xf32, #tpu.memory_space<hbm>>
      %dma_start3A_19 = tpu.memref_squeeze %dma_start3A_18 : memref<1x80x128xf32, #tpu.memory_space<hbm>> -> memref<80x128xf32, #tpu.memory_space<hbm>>
      tpu.enqueue_dma source(%arg14 : memref<80x128xf32, #tpu.memory_space<vmem>>) target(%dma_start3A_19 : memref<80x128xf32, #tpu.memory_space<hbm>>) target_semaphore(%run_scoped3A : memref<!tpu.dma_semaphore, #tpu.memory_space<semaphore_mem>>)
      %dma_wait3A = arith.constant 0 : i32
      %dma_wait3A_20 = arith.constant 0 : i32
      %dma_wait3A_21 = tpu.memref_slice %arg9[%add3A, %dma_wait3A, %dma_wait3A_20] : memref<32x80x128xf32, #tpu.memory_space<hbm>> -> memref<1x80x128xf32, #tpu.memory_space<hbm>>
      %dma_wait3A_22 = tpu.memref_squeeze %dma_wait3A_21 : memref<1x80x128xf32, #tpu.memory_space<hbm>> -> memref<80x128xf32, #tpu.memory_space<hbm>>
      %dma_wait3A_23 = arith.constant 0 : i32
      %dma_wait3A_24 = arith.constant 0 : i32
      %dma_wait3A_25 = tpu.memref_slice %arg9[%add3A, %dma_wait3A_23, %dma_wait3A_24] : memref<32x80x128xf32, #tpu.memory_space<hbm>> -> memref<1x80x128xf32, #tpu.memory_space<hbm>>
      %dma_wait3A_26 = tpu.memref_squeeze %dma_wait3A_25 : memref<1x80x128xf32, #tpu.memory_space<hbm>> -> memref<80x128xf32, #tpu.memory_space<hbm>>
      tpu.wait_dma2 semaphore(%run_scoped3A : memref<!tpu.dma_semaphore, #tpu.memory_space<semaphore_mem>>) src(%arg14 : memref<80x128xf32, #tpu.memory_space<vmem>>) dst(%dma_wait3A_26 : memref<80x128xf32, #tpu.memory_space<hbm>>)
      tpu.yield
    }) : () -> ()
    return
  }
}

module attributes {stable_mosaic.version = 14 : i64} {
  func.func @_tc1_body(%arg0: i32, %arg1: memref<1280x128xf32, #tpu.memory_space<vmem>>, %arg2: memref<32x1280xf32, #tpu.memory_space<vmem>>, %arg3: memref<128x128xf32, #tpu.memory_space<vmem>>, %arg4: memref<1280x1xf32, #tpu.memory_space<vmem>>, %arg5: memref<1280x128xf32, #tpu.memory_space<vmem>>) attributes {dimension_semantics = [#tpu.dimension_semantics<arbitrary>], iteration_bounds = array<i64: 8>, scalar_prefetch = 0 : i64, scratch_operands = 0 : i64, tpu.core_type = #tpu.core_type<tc>, window_params = [{transform_indices = @transform_0, window_bounds = array<i64: 1280, 128>}, {transform_indices = @transform_1, window_bounds = array<i64: 32, 1280>}, {pipeline_mode = #tpu.pipeline_mode<synchronous>, transform_indices = @transform_2, window_bounds = array<i64: 128, 128>}, {transform_indices = @transform_3, window_bounds = array<i64: 1280, 1>}, {transform_indices = @transform_4, window_bounds = array<i64: 1280, 128>}]} {
    %broadcast_in_dim3A = arith.constant 1.000000e+00 : f32
    %broadcast_in_dim3A_0 = vector.broadcast %broadcast_in_dim3A : f32 to vector<32x1xf32>
    %get3A = arith.constant 0 : index
    %get3A_1 = arith.constant 0 : index
    %get3A_2 = vector.load %arg2[%get3A, %get3A_1] : memref<32x1280xf32, #tpu.memory_space<vmem>>, vector<32x1280xf32>
    %dot_general3A = arith.constant dense<0.000000e+00> : vector<1280x1xf32>
    %dot_general3A_3 = tpu.matmul %get3A_2, %broadcast_in_dim3A_0, %dot_general3A {dimension_numbers = #tpu.dot_dimension_numbers<[0], [0], [1], [1], [0, 1, 1, 1], [], []>, transpose_lhs_hint = false} : vector<32x1280xf32>, vector<32x1xf32>, vector<1280x1xf32> -> vector<1280x1xf32>
    %add3A = arith.constant 1.000000e+00 : f32
    %add3A_4 = vector.broadcast %add3A : f32 to vector<1280x1xf32>
    %add3A_5 = arith.addf %add3A_4, %dot_general3A_3 : vector<1280x1xf32>
    %rsqrt3A = math.rsqrt %add3A_5 : vector<1280x1xf32>
    %swap3A = arith.constant 0 : index
    %swap3A_6 = arith.constant 0 : index
    %swap3A_7 = vector.load %arg4[%swap3A, %swap3A_6] : memref<1280x1xf32, #tpu.memory_space<vmem>>, vector<1280x1xf32>
    tpu.vector_store %arg4[%swap3A, %swap3A_6], %rsqrt3A {strides = array<i32>} : memref<1280x1xf32, #tpu.memory_space<vmem>>, vector<1280x1xf32>,
    %get3A_8 = arith.constant 0 : index
    %get3A_9 = arith.constant 0 : index
    %get3A_10 = vector.load %arg1[%get3A_8, %get3A_9] : memref<1280x128xf32, #tpu.memory_space<vmem>>, vector<1280x128xf32>
    %get3A_11 = arith.constant 0 : index
    %get3A_12 = arith.constant 0 : index
    %get3A_13 = vector.load %arg3[%get3A_11, %get3A_12] : memref<128x128xf32, #tpu.memory_space<vmem>>, vector<128x128xf32>
    %dot_general3A_14 = arith.constant dense<0.000000e+00> : vector<1280x128xf32>
    %dot_general3A_15 = tpu.matmul %get3A_10, %get3A_13, %dot_general3A_14 {dimension_numbers = #tpu.dot_dimension_numbers<[1], [0], [0], [1], [0, 0, 1, 1], [], []>, transpose_lhs_hint = false} : vector<1280x128xf32>, vector<128x128xf32>, vector<1280x128xf32> -> vector<1280x128xf32>
    %mul3A = vector.broadcast %rsqrt3A : vector<1280x1xf32> to vector<1280x128xf32>
    %mul3A_16 = arith.mulf %mul3A, %dot_general3A_15 : vector<1280x128xf32>
    %swap3A_17 = arith.constant 0 : index
    %swap3A_18 = arith.constant 0 : index
    %swap3A_19 = vector.load %arg5[%swap3A_17, %swap3A_18] : memref<1280x128xf32, #tpu.memory_space<vmem>>, vector<1280x128xf32>
    tpu.vector_store %arg5[%swap3A_17, %swap3A_18], %mul3A_16 {strides = array<i32>} : memref<1280x128xf32, #tpu.memory_space<vmem>>, vector<1280x128xf32>,
    return
  }
  func.func @transform_0(%arg0: i32) -> (i32, i32) {
    %c0_i32 = arith.constant 0 : i32
    %c0_i32_0 = arith.constant 0 : i32
    return %arg0, %c0_i32 : i32, i32
  }
  func.func @transform_1(%arg0: i32) -> (i32, i32) {
    %c0_i32 = arith.constant 0 : i32
    %c0_i32_0 = arith.constant 0 : i32
    return %c0_i32, %arg0 : i32, i32
  }
  func.func @transform_2(%arg0: i32) -> (i32, i32) {
    %c0_i32 = arith.constant 0 : i32
    %c0_i32_0 = arith.constant 0 : i32
    %c0_i32_1 = arith.constant 0 : i32
    return %c0_i32, %c0_i32_0 : i32, i32
  }
  func.func @transform_3(%arg0: i32) -> (i32, i32) {
    %c0_i32 = arith.constant 0 : i32
    %c0_i32_0 = arith.constant 0 : i32
    return %arg0, %c0_i32 : i32, i32
  }
  func.func @transform_4(%arg0: i32) -> (i32, i32) {
    %c0_i32 = arith.constant 0 : i32
    %c0_i32_0 = arith.constant 0 : i32
    return %arg0, %c0_i32 : i32, i32
  }
}

module attributes {stable_mosaic.version = 14 : i64} {
  func.func @_tc2_body(%arg0: i32, %arg1: memref<2x1280x128xf32, #tpu.memory_space<vmem>>, %arg2: memref<1280x128xf32, #tpu.memory_space<vmem>>, %arg3: memref<1280x1xf32, #tpu.memory_space<vmem>>, %arg4: memref<1x128xf32, #tpu.memory_space<vmem>>, %arg5: memref<128x128xf32, #tpu.memory_space<vmem>>, %arg6: memref<32x1280xf32, #tpu.memory_space<vmem>>, %arg7: memref<1280x128xf32, #tpu.memory_space<vmem>>, %arg8: memref<1280x1xf32, #tpu.memory_space<vmem>>) attributes {dimension_semantics = [#tpu.dimension_semantics<arbitrary>], iteration_bounds = array<i64: 8>, scalar_prefetch = 0 : i64, scratch_operands = 0 : i64, tpu.core_type = #tpu.core_type<tc>, window_params = [{transform_indices = @transform_0, window_bounds = array<i64: 2, 1280, 128>}, {transform_indices = @transform_1, window_bounds = array<i64: 1280, 128>}, {transform_indices = @transform_2, window_bounds = array<i64: 1280, 1>}, {pipeline_mode = #tpu.pipeline_mode<synchronous>, transform_indices = @transform_3, window_bounds = array<i64: 1, 128>}, {pipeline_mode = #tpu.pipeline_mode<synchronous>, transform_indices = @transform_4, window_bounds = array<i64: 128, 128>}, {transform_indices = @transform_5, window_bounds = array<i64: 32, 1280>}, {transform_indices = @transform_6, window_bounds = array<i64: 1280, 128>}, {transform_indices = @transform_7, window_bounds = array<i64: 1280, 1>}]} {
    %get3A = arith.constant 0 : index
    %get3A_0 = arith.constant 0 : index
    %get3A_1 = vector.load %arg3[%get3A, %get3A_0] : memref<1280x1xf32, #tpu.memory_space<vmem>>, vector<1280x1xf32>
    %get3A_2 = arith.constant 0 : index
    %get3A_3 = arith.constant 0 : index
    %get3A_4 = arith.constant 0 : index
    %get3A_5 = vector.load %arg1[%get3A_2, %get3A_3, %get3A_4] : memref<2x1280x128xf32, #tpu.memory_space<vmem>>, vector<1x1280x128xf32>
    %get3A_6 = vector.shape_cast %get3A_5 : vector<1x1280x128xf32> to vector<1280x128xf32>
    %get3A_7 = arith.constant 1 : index
    %get3A_8 = arith.constant 0 : index
    %get3A_9 = arith.constant 0 : index
    %get3A_10 = vector.load %arg1[%get3A_7, %get3A_8, %get3A_9] : memref<2x1280x128xf32, #tpu.memory_space<vmem>>, vector<1x1280x128xf32>
    %get3A_11 = vector.shape_cast %get3A_10 : vector<1x1280x128xf32> to vector<1280x128xf32>
    %add3A = arith.addf %get3A_6, %get3A_11 : vector<1280x128xf32>
    %get3A_12 = arith.constant 0 : index
    %get3A_13 = arith.constant 0 : index
    %get3A_14 = vector.load %arg2[%get3A_12, %get3A_13] : memref<1280x128xf32, #tpu.memory_space<vmem>>, vector<1280x128xf32>
    %add3A_15 = arith.addf %add3A, %get3A_14 : vector<1280x128xf32>
    %mul3A = vector.broadcast %get3A_1 : vector<1280x1xf32> to vector<1280x128xf32>
    %mul3A_16 = arith.mulf %mul3A, %add3A_15 : vector<1280x128xf32>
    %get3A_17 = arith.constant 0 : index
    %get3A_18 = arith.constant 0 : index
    %get3A_19 = vector.load %arg4[%get3A_17, %get3A_18] : memref<1x128xf32, #tpu.memory_space<vmem>>, vector<1x128xf32>
    %add3A_20 = vector.broadcast %get3A_19 : vector<1x128xf32> to vector<1280x128xf32>
    %add3A_21 = arith.addf %mul3A_16, %add3A_20 : vector<1280x128xf32>
    %max3A = arith.constant 0.000000e+00 : f32
    %max3A_22 = vector.broadcast %max3A : f32 to vector<1280x128xf32>
    %max3A_23 = arith.maximumf %add3A_21, %max3A_22 : vector<1280x128xf32>
    %get3A_24 = arith.constant 0 : index
    %get3A_25 = arith.constant 0 : index
    %get3A_26 = vector.load %arg5[%get3A_24, %get3A_25] : memref<128x128xf32, #tpu.memory_space<vmem>>, vector<128x128xf32>
    %dot_general3A = arith.constant dense<0.000000e+00> : vector<1280x128xf32>
    %dot_general3A_27 = tpu.matmul %max3A_23, %get3A_26, %dot_general3A {dimension_numbers = #tpu.dot_dimension_numbers<[1], [0], [0], [1], [0, 0, 1, 1], [], []>, transpose_lhs_hint = false} : vector<1280x128xf32>, vector<128x128xf32>, vector<1280x128xf32> -> vector<1280x128xf32>
    %mul3A_28 = vector.broadcast %get3A_1 : vector<1280x1xf32> to vector<1280x128xf32>
    %mul3A_29 = arith.mulf %mul3A_28, %dot_general3A_27 : vector<1280x128xf32>
    %swap3A = arith.constant 0 : index
    %swap3A_30 = arith.constant 0 : index
    %swap3A_31 = vector.load %arg7[%swap3A, %swap3A_30] : memref<1280x128xf32, #tpu.memory_space<vmem>>, vector<1280x128xf32>
    tpu.vector_store %arg7[%swap3A, %swap3A_30], %mul3A_29 {strides = array<i32>} : memref<1280x128xf32, #tpu.memory_space<vmem>>, vector<1280x128xf32>,
    %broadcast_in_dim3A = arith.constant 1.000000e+00 : f32
    %broadcast_in_dim3A_32 = vector.broadcast %broadcast_in_dim3A : f32 to vector<32x1xf32>
    %get3A_33 = arith.constant 0 : index
    %get3A_34 = arith.constant 0 : index
    %get3A_35 = vector.load %arg6[%get3A_33, %get3A_34] : memref<32x1280xf32, #tpu.memory_space<vmem>>, vector<32x1280xf32>
    %dot_general3A_36 = arith.constant dense<0.000000e+00> : vector<1280x1xf32>
    %dot_general3A_37 = tpu.matmul %get3A_35, %broadcast_in_dim3A_32, %dot_general3A_36 {dimension_numbers = #tpu.dot_dimension_numbers<[0], [0], [1], [1], [0, 1, 1, 1], [], []>, transpose_lhs_hint = false} : vector<32x1280xf32>, vector<32x1xf32>, vector<1280x1xf32> -> vector<1280x1xf32>
    %swap3A_38 = arith.constant 0 : index
    %swap3A_39 = arith.constant 0 : index
    %swap3A_40 = vector.load %arg8[%swap3A_38, %swap3A_39] : memref<1280x1xf32, #tpu.memory_space<vmem>>, vector<1280x1xf32>
    tpu.vector_store %arg8[%swap3A_38, %swap3A_39], %dot_general3A_37 {strides = array<i32>} : memref<1280x1xf32, #tpu.memory_space<vmem>>, vector<1280x1xf32>,
    return
  }
  func.func @transform_0(%arg0: i32) -> (i32, i32, i32) {
    %c0_i32 = arith.constant 0 : i32
    %c0_i32_0 = arith.constant 0 : i32
    %c0_i32_1 = arith.constant 0 : i32
    return %c0_i32, %arg0, %c0_i32_0 : i32, i32, i32
  }
  func.func @transform_1(%arg0: i32) -> (i32, i32) {
    %c0_i32 = arith.constant 0 : i32
    %c0_i32_0 = arith.constant 0 : i32
    return %arg0, %c0_i32 : i32, i32
  }
  func.func @transform_2(%arg0: i32) -> (i32, i32) {
    %c0_i32 = arith.constant 0 : i32
    %c0_i32_0 = arith.constant 0 : i32
    return %arg0, %c0_i32 : i32, i32
  }
  func.func @transform_3(%arg0: i32) -> (i32, i32) {
    %c0_i32 = arith.constant 0 : i32
    %c0_i32_0 = arith.constant 0 : i32
    %c0_i32_1 = arith.constant 0 : i32
    return %c0_i32, %c0_i32_0 : i32, i32
  }
  func.func @transform_4(%arg0: i32) -> (i32, i32) {
    %c0_i32 = arith.constant 0 : i32
    %c0_i32_0 = arith.constant 0 : i32
    %c0_i32_1 = arith.constant 0 : i32
    return %c0_i32, %c0_i32_0 : i32, i32
  }
  func.func @transform_5(%arg0: i32) -> (i32, i32) {
    %c0_i32 = arith.constant 0 : i32
    %c0_i32_0 = arith.constant 0 : i32
    return %c0_i32, %arg0 : i32, i32
  }
  func.func @transform_6(%arg0: i32) -> (i32, i32) {
    %c0_i32 = arith.constant 0 : i32
    %c0_i32_0 = arith.constant 0 : i32
    return %arg0, %c0_i32 : i32, i32
  }
  func.func @transform_7(%arg0: i32) -> (i32, i32) {
    %c0_i32 = arith.constant 0 : i32
    %c0_i32_0 = arith.constant 0 : i32
    return %arg0, %c0_i32 : i32, i32
  }
}

module attributes {stable_mosaic.version = 14 : i64} {
  func.func @_tc3_body(%arg0: i32, %arg1: memref<2x1280x128xf32, #tpu.memory_space<vmem>>, %arg2: memref<1280x128xf32, #tpu.memory_space<vmem>>, %arg3: memref<1280x1xf32, #tpu.memory_space<vmem>>, %arg4: memref<1x128xf32, #tpu.memory_space<vmem>>, %arg5: memref<1280x1xf32, #tpu.memory_space<vmem>>, %arg6: memref<128x128xf32, #tpu.memory_space<vmem>>, %arg7: memref<1x128xf32, #tpu.memory_space<vmem>>, %arg8: memref<128x10xf32, #tpu.memory_space<vmem>>, %arg9: memref<1x10xf32, #tpu.memory_space<vmem>>, %arg10: memref<1x10xf32, #tpu.memory_space<vmem>>, %arg11: memref<1x128xf32, #tpu.memory_space<vmem>>) attributes {dimension_semantics = [#tpu.dimension_semantics<arbitrary>], iteration_bounds = array<i64: 8>, scalar_prefetch = 0 : i64, scratch_operands = 1 : i64, tpu.core_type = #tpu.core_type<tc>, window_params = [{transform_indices = @transform_0, window_bounds = array<i64: 2, 1280, 128>}, {transform_indices = @transform_1, window_bounds = array<i64: 1280, 128>}, {transform_indices = @transform_2, window_bounds = array<i64: 1280, 1>}, {pipeline_mode = #tpu.pipeline_mode<synchronous>, transform_indices = @transform_3, window_bounds = array<i64: 1, 128>}, {transform_indices = @transform_4, window_bounds = array<i64: 1280, 1>}, {pipeline_mode = #tpu.pipeline_mode<synchronous>, transform_indices = @transform_5, window_bounds = array<i64: 128, 128>}, {pipeline_mode = #tpu.pipeline_mode<synchronous>, transform_indices = @transform_6, window_bounds = array<i64: 1, 128>}, {pipeline_mode = #tpu.pipeline_mode<synchronous>, transform_indices = @transform_7, window_bounds = array<i64: 128, 10>}, {pipeline_mode = #tpu.pipeline_mode<synchronous>, transform_indices = @transform_8, window_bounds = array<i64: 1, 10>}, {pipeline_mode = #tpu.pipeline_mode<synchronous>, transform_indices = @transform_9, window_bounds = array<i64: 1, 10>}]} {
    %get3A = arith.constant 0 : index
    %get3A_0 = arith.constant 0 : index
    %get3A_1 = vector.load %arg3[%get3A, %get3A_0] : memref<1280x1xf32, #tpu.memory_space<vmem>>, vector<1280x1xf32>
    %get3A_2 = arith.constant 0 : index
    %get3A_3 = arith.constant 0 : index
    %get3A_4 = arith.constant 0 : index
    %get3A_5 = vector.load %arg1[%get3A_2, %get3A_3, %get3A_4] : memref<2x1280x128xf32, #tpu.memory_space<vmem>>, vector<1x1280x128xf32>
    %get3A_6 = vector.shape_cast %get3A_5 : vector<1x1280x128xf32> to vector<1280x128xf32>
    %get3A_7 = arith.constant 1 : index
    %get3A_8 = arith.constant 0 : index
    %get3A_9 = arith.constant 0 : index
    %get3A_10 = vector.load %arg1[%get3A_7, %get3A_8, %get3A_9] : memref<2x1280x128xf32, #tpu.memory_space<vmem>>, vector<1x1280x128xf32>
    %get3A_11 = vector.shape_cast %get3A_10 : vector<1x1280x128xf32> to vector<1280x128xf32>
    %add3A = arith.addf %get3A_6, %get3A_11 : vector<1280x128xf32>
    %get3A_12 = arith.constant 0 : index
    %get3A_13 = arith.constant 0 : index
    %get3A_14 = vector.load %arg2[%get3A_12, %get3A_13] : memref<1280x128xf32, #tpu.memory_space<vmem>>, vector<1280x128xf32>
    %add3A_15 = arith.addf %add3A, %get3A_14 : vector<1280x128xf32>
    %mul3A = vector.broadcast %get3A_1 : vector<1280x1xf32> to vector<1280x128xf32>
    %mul3A_16 = arith.mulf %mul3A, %add3A_15 : vector<1280x128xf32>
    %get3A_17 = arith.constant 0 : index
    %get3A_18 = arith.constant 0 : index
    %get3A_19 = vector.load %arg4[%get3A_17, %get3A_18] : memref<1x128xf32, #tpu.memory_space<vmem>>, vector<1x128xf32>
    %add3A_20 = vector.broadcast %get3A_19 : vector<1x128xf32> to vector<1280x128xf32>
    %add3A_21 = arith.addf %mul3A_16, %add3A_20 : vector<1280x128xf32>
    %max3A = arith.constant 0.000000e+00 : f32
    %max3A_22 = vector.broadcast %max3A : f32 to vector<1280x128xf32>
    %max3A_23 = arith.maximumf %add3A_21, %max3A_22 : vector<1280x128xf32>
    %get3A_24 = arith.constant 0 : index
    %get3A_25 = arith.constant 0 : index
    %get3A_26 = vector.load %arg5[%get3A_24, %get3A_25] : memref<1280x1xf32, #tpu.memory_space<vmem>>, vector<1280x1xf32>
    %add3A_27 = arith.addf %get3A_26, %get3A_1 : vector<1280x1xf32>
    %mul3A_28 = arith.mulf %get3A_1, %add3A_27 : vector<1280x1xf32>
    %mul3A_29 = arith.constant 1280 : i32
    %mul3A_30 = arith.muli %arg0, %mul3A_29 : i32
    %iota3A = tpu.iota {dimensions = array<i32: 0>} : vector<1280x1xi32>
    %add3A_31 = vector.broadcast %mul3A_30 : i32 to vector<1280x1xi32>
    %add3A_32 = arith.addi %add3A_31, %iota3A : vector<1280x1xi32>
    %lt3A = arith.constant 10000 : i32
    %lt3A_33 = vector.broadcast %lt3A : i32 to vector<1280x1xi32>
    %lt3A_34 = arith.cmpi slt, %add3A_32, %lt3A_33 : vector<1280x1xi32>
    %jit3A = arith.constant 0.000000e+00 : f32
    %broadcast_in_dim3A = vector.broadcast %jit3A : f32 to vector<1280x1xf32>
    %select_n3A = arith.select %lt3A_34, %mul3A_28, %broadcast_in_dim3A : vector<1280x1xi1>, vector<1280x1xf32>
    %mul3A_35 = vector.broadcast %select_n3A : vector<1280x1xf32> to vector<1280x128xf32>
    %mul3A_36 = arith.mulf %mul3A_35, %max3A_23 : vector<1280x128xf32>
    %reduce_sum3A = arith.constant dense<0.000000e+00> : vector<128xf32>
    %reduce_sum3A_37 = vector.multi_reduction <add>, %mul3A_36, %reduce_sum3A [0] : vector<1280x128xf32> to vector<128xf32>
    %broadcast_in_dim3A_38 = vector.shape_cast %reduce_sum3A_37 : vector<128xf32> to vector<1x128xf32>
    %eq3A = arith.constant 0 : i32
    %eq3A_39 = arith.cmpi eq, %arg0, %eq3A : i32
    %convert_element_type3A = arith.extui %eq3A_39 : i1 to i32
    %cond3A = arith.constant 0 : i32
    %cond3A_40 = arith.cmpi ne, %convert_element_type3A, %cond3A : i32
    scf.if %cond3A_40 {
      %swap3A = arith.constant 0 : index
      %swap3A_50 = arith.constant 0 : index
      %swap3A_51 = vector.load %arg11[%swap3A, %swap3A_50] : memref<1x128xf32, #tpu.memory_space<vmem>>, vector<1x128xf32>
      tpu.vector_store %arg11[%swap3A, %swap3A_50], %broadcast_in_dim3A_38 {strides = array<i32>} : memref<1x128xf32, #tpu.memory_space<vmem>>, vector<1x128xf32>,
    } else {
    }
    %gt3A = arith.constant 0 : i32
    %gt3A_41 = arith.cmpi sgt, %arg0, %gt3A : i32
    %convert_element_type3A_42 = arith.extui %gt3A_41 : i1 to i32
    %cond3A_43 = arith.constant 0 : i32
    %cond3A_44 = arith.cmpi ne, %convert_element_type3A_42, %cond3A_43 : i32
    scf.if %cond3A_44 {
      %get3A_50 = arith.constant 0 : index
      %get3A_51 = arith.constant 0 : index
      %get3A_52 = vector.load %arg11[%get3A_50, %get3A_51] : memref<1x128xf32, #tpu.memory_space<vmem>>, vector<1x128xf32>
      %add3A_53 = arith.addf %get3A_52, %broadcast_in_dim3A_38 : vector<1x128xf32>
      %swap3A = arith.constant 0 : index
      %swap3A_54 = arith.constant 0 : index
      %swap3A_55 = vector.load %arg11[%swap3A, %swap3A_54] : memref<1x128xf32, #tpu.memory_space<vmem>>, vector<1x128xf32>
      tpu.vector_store %arg11[%swap3A, %swap3A_54], %add3A_53 {strides = array<i32>} : memref<1x128xf32, #tpu.memory_space<vmem>>, vector<1x128xf32>,
    } else {
    }
    %eq3A_45 = arith.constant 7 : i32
    %eq3A_46 = arith.cmpi eq, %arg0, %eq3A_45 : i32
    %convert_element_type3A_47 = arith.extui %eq3A_46 : i1 to i32
    %cond3A_48 = arith.constant 0 : i32
    %cond3A_49 = arith.cmpi ne, %convert_element_type3A_47, %cond3A_48 : i32
    scf.if %cond3A_49 {
      %get3A_50 = arith.constant 0 : index
      %get3A_51 = arith.constant 0 : index
      %get3A_52 = vector.load %arg11[%get3A_50, %get3A_51] : memref<1x128xf32, #tpu.memory_space<vmem>>, vector<1x128xf32>
      %mul3A_53 = arith.constant 9.99999974E-5 : f32
      %mul3A_54 = vector.broadcast %mul3A_53 : f32 to vector<1x128xf32>
      %mul3A_55 = arith.mulf %get3A_52, %mul3A_54 : vector<1x128xf32>
      %get3A_56 = arith.constant 0 : index
      %get3A_57 = arith.constant 0 : index
      %get3A_58 = vector.load %arg6[%get3A_56, %get3A_57] : memref<128x128xf32, #tpu.memory_space<vmem>>, vector<128x128xf32>
      %dot_general3A = arith.constant dense<0.000000e+00> : vector<1x128xf32>
      %dot_general3A_59 = tpu.matmul %mul3A_55, %get3A_58, %dot_general3A {dimension_numbers = #tpu.dot_dimension_numbers<[1], [0], [0], [1], [0, 0, 1, 1], [], []>, transpose_lhs_hint = false} : vector<1x128xf32>, vector<128x128xf32>, vector<1x128xf32> -> vector<1x128xf32>
      %get3A_60 = arith.constant 0 : index
      %get3A_61 = arith.constant 0 : index
      %get3A_62 = vector.load %arg7[%get3A_60, %get3A_61] : memref<1x128xf32, #tpu.memory_space<vmem>>, vector<1x128xf32>
      %add3A_63 = arith.addf %dot_general3A_59, %get3A_62 : vector<1x128xf32>
      %get3A_64 = arith.constant 0 : index
      %get3A_65 = arith.constant 0 : index
      %get3A_66 = vector.load %arg8[%get3A_64, %get3A_65] : memref<128x10xf32, #tpu.memory_space<vmem>>, vector<128x10xf32>
      %dot_general3A_67 = arith.constant dense<0.000000e+00> : vector<1x10xf32>
      %dot_general3A_68 = tpu.matmul %add3A_63, %get3A_66, %dot_general3A_67 {dimension_numbers = #tpu.dot_dimension_numbers<[1], [0], [0], [1], [0, 0, 1, 1], [], []>, transpose_lhs_hint = false} : vector<1x128xf32>, vector<128x10xf32>, vector<1x10xf32> -> vector<1x10xf32>
      %get3A_69 = arith.constant 0 : index
      %get3A_70 = arith.constant 0 : index
      %get3A_71 = vector.load %arg9[%get3A_69, %get3A_70] : memref<1x10xf32, #tpu.memory_space<vmem>>, vector<1x10xf32>
      %add3A_72 = arith.addf %dot_general3A_68, %get3A_71 : vector<1x10xf32>
      %swap3A = arith.constant 0 : index
      %swap3A_73 = arith.constant 0 : index
      %swap3A_74 = vector.load %arg10[%swap3A, %swap3A_73] : memref<1x10xf32, #tpu.memory_space<vmem>>, vector<1x10xf32>
      tpu.vector_store %arg10[%swap3A, %swap3A_73], %add3A_72 {strides = array<i32>} : memref<1x10xf32, #tpu.memory_space<vmem>>, vector<1x10xf32>,
    } else {
    }
    return
  }
  func.func @transform_0(%arg0: i32) -> (i32, i32, i32) {
    %c0_i32 = arith.constant 0 : i32
    %c0_i32_0 = arith.constant 0 : i32
    %c0_i32_1 = arith.constant 0 : i32
    return %c0_i32, %arg0, %c0_i32_0 : i32, i32, i32
  }
  func.func @transform_1(%arg0: i32) -> (i32, i32) {
    %c0_i32 = arith.constant 0 : i32
    %c0_i32_0 = arith.constant 0 : i32
    return %arg0, %c0_i32 : i32, i32
  }
  func.func @transform_2(%arg0: i32) -> (i32, i32) {
    %c0_i32 = arith.constant 0 : i32
    %c0_i32_0 = arith.constant 0 : i32
    return %arg0, %c0_i32 : i32, i32
  }
  func.func @transform_3(%arg0: i32) -> (i32, i32) {
    %c0_i32 = arith.constant 0 : i32
    %c0_i32_0 = arith.constant 0 : i32
    %c0_i32_1 = arith.constant 0 : i32
    return %c0_i32, %c0_i32_0 : i32, i32
  }
  func.func @transform_4(%arg0: i32) -> (i32, i32) {
    %c0_i32 = arith.constant 0 : i32
    %c0_i32_0 = arith.constant 0 : i32
    return %arg0, %c0_i32 : i32, i32
  }
  func.func @transform_5(%arg0: i32) -> (i32, i32) {
    %c0_i32 = arith.constant 0 : i32
    %c0_i32_0 = arith.constant 0 : i32
    %c0_i32_1 = arith.constant 0 : i32
    return %c0_i32, %c0_i32_0 : i32, i32
  }
  func.func @transform_6(%arg0: i32) -> (i32, i32) {
    %c0_i32 = arith.constant 0 : i32
    %c0_i32_0 = arith.constant 0 : i32
    %c0_i32_1 = arith.constant 0 : i32
    return %c0_i32, %c0_i32_0 : i32, i32
  }
  func.func @transform_7(%arg0: i32) -> (i32, i32) {
    %c0_i32 = arith.constant 0 : i32
    %c0_i32_0 = arith.constant 0 : i32
    %c0_i32_1 = arith.constant 0 : i32
    return %c0_i32, %c0_i32_0 : i32, i32
  }
  func.func @transform_8(%arg0: i32) -> (i32, i32) {
    %c0_i32 = arith.constant 0 : i32
    %c0_i32_0 = arith.constant 0 : i32
    %c0_i32_1 = arith.constant 0 : i32
    return %c0_i32, %c0_i32_0 : i32, i32
  }
  func.func @transform_9(%arg0: i32) -> (i32, i32) {
    %c0_i32 = arith.constant 0 : i32
    %c0_i32_0 = arith.constant 0 : i32
    %c0_i32_1 = arith.constant 0 : i32
    return %c0_i32, %c0_i32_0 : i32, i32
  }
}

</mosaic_0001>

<sc_bundles>
// kernel: kernel.11.cloned.1.call-start
scs
__scs_entry_jumppad:
0x0: {  	(pc) =	sbr.rel $0x88, $3  }
0x1: {  	(tag) =	ssettag $0x0;
	lr =	simm.s32 $0x1  }
0x2: {  	[smem:$0x3F97] =	sst lr;
	_ =	strace $0xD0000000  }
0x3: {  	_ = 	snop  }
0x4: {  	_ = 	snop  }
0x5: {  	_ = 	snop  }
0x6: {  	_ = 	snop  }
0x7: {  	_ = 	snop  }
__scs_overlays_trampoline_lowered:
0x8: {  	[smem:$0x3FA6] =	sst s0  }
0x9: {  	[smem:$0x3FA7] =	sst s1  }
0xa: {  	[smem:$0x3FA8] =	sst s2  }
0xb: {  	[smem:$0x3FA9] =	sst s3  }
0xc: {  	[smem:$0x3FAA] =	sst s4  }
0xd: {  	[smem:$0x3FAB] =	sst s5  }
0xe: {  	[smem:$0x3FAC] =	sst s6  }
0xf: {  	[smem:$0x3FAD] =	sst s7  }
0x10: {  	[smem:$0x3FAE] =	sst s8  }
0x11: {  	[smem:$0x3FAF] =	sst s9;
	s0 =	simm.s32 @!p0 $0x0  }
0x12: {  	s1 =	sld [smem:$0x3F95];
	s0 =	simm.s32 @p0 $0x1  }
0x13: {  	[smem:$0x3FB0] =	sst s0;
	s0 =	simm.s32 @!p1 $0x0  }
0x14: {  	s2 =	sld [smem:$0x3F94];
	s0 =	simm.s32 @p1 $0x1  }
0x15: {  	[smem:$0x3FB1] =	sst s0;
	s0 =	simm.s32 @!p2 $0x0  }
0x16: {  	s3 =	sld [smem:$0x3FDB];
	s0 =	simm.s32 @p2 $0x1  }
0x17: {  	s4 =	simm.s32 $0x1BF5;
	[smem:$0x3FB3] =	sst s0  }
0x18: {  	s0 =	sld [smem:$0x3F96];
	_ =	swait.ge [sflag:s4], $0x0  }
0x19: {  	s7 =	sld [smem:$0x3F97]  }
0x1a: {  	s8 =	sadd.s32 $0xFFFFE003, lr  }
0x1b: {  	s9 =	sadd.s32 $0xFFFFFEF7, lr;
	s5 =	simm.s32 $0xFFFFFFFF;
	p2 =	slt.u32 s8, $0xFFFFF086  }
0x1c: {  	p1 =	slt.u32 s9, $0xF7A;
	s5 =	simm.s32 @!p2 $0x0  }
0x1d: {  	s5 =	simm.s32 @p1 $0x1;
	p0 =	seq.s32 s7, s2  }
0x1e: {  	s7 =	smul.u32 @!p0 $0xF7A, s2;
	p2 =	seq.s32 @!p0 s5, $0x0  }
0x1f: {  	s9 =	smul.u32 $0xF7A, s1;
	s8 =	simm.s32 @!p0 $0x1BF5;
	p2 =	por !p2, p0  }
0x20: {  	[sflag:s8] =	ssyncset.s32 @!p0 $0xFFFFF086;
	s6 =	sadd.s32 @!p0 s3, s7;
	s7 =	simm.s32 @!p0 $0x108  }
0x21: {  	s3 =	sadd.s32 s3, s9;
	s6 =	sadd.s32 @!p0 $0x88, s6;
	s7 =	simm.s32 @p2 $0x1082  }
0x22: {  	[simem:s7], [sflag:s8] =	dma.local @!p0 [hbm:s6], $0xF7A  }
0x23: {  	s9 =	sor.u32 $0xD0000000, s2;
	s6 =	simm.s32 $0x108;
	_ =	swait.ge @!p0 [sflag:s8], $0x0  }
0x24: {  	s3 =	sadd.s32 $0x88, s3;
	s6 =	simm.s32 @!p1 $0x1082;
	[sflag:s4] =	ssyncset.s32 $0xFFFFF086  }
0x25: {  	[simem:s6], [sflag:s4] =	dma.local [hbm:s3], $0xF7A  }
0x26: {  	[smem:$0x3F97] =	sst s1;
	(tag) =	ssettag s2;
	_ =	strace s9  }
0x27: {  	s1 =	sld [smem:$0x3FA7]  }
0x28: {  	s2 =	sld [smem:$0x3FA8]  }
0x29: {  	s4 =	sld [smem:$0x3FAA]  }
0x2a: {  	p0 =	seq.s32 s5, $0x0;
	s5 =	sld [smem:$0x3FAB]  }
0x2b: {  	s6 =	sld [smem:$0x3FAC]  }
0x2c: {  	s7 =	sld [smem:$0x3FAD]  }
0x2d: {  	s3 =	simm.s32 $0x108;
	s8 =	sld [smem:$0x3FAE]  }
0x2e: {  	s3 =	simm.s32 @!p0 $0x1082;
	s9 =	sld [smem:$0x3FAF]  }
0x2f: {  	lr =	sadd.s32 s0, s3;
	s0 =	sld [smem:$0x3FA6]  }
0x30: {  	s3 =	sld [smem:$0x3FA9]  }
0x31: {  	[smem:$0x3FB2] =	sst s10  }
0x32: {  	s10 =	sld [smem:$0x3FB0];
	_ =	sdelay $0x3  }
0x33: {  	p0 =	seq.s32 s10, $0x1;
	s10 =	sld [smem:$0x3FB2];
	_ =	sdelay $0x3  }
0x34: {  	[smem:$0x3FB2] =	sst s10  }
0x35: {  	s10 =	sld [smem:$0x3FB1];
	_ =	sdelay $0x3  }
0x36: {  	p1 =	seq.s32 s10, $0x1;
	s10 =	sld [smem:$0x3FB2];
	_ =	sdelay $0x3  }
0x37: {  	[smem:$0x3FB2] =	sst s10  }
0x38: {  	s10 =	sld [smem:$0x3FB3]  }
0x39: {  	_ = 	snop;
	(pc) =	sbr.ind lr, $3  }
0x3a: {  	_ = 	snop  }
0x3b: {  	_ = 	snop  }
0x3c: {  	p2 =	seq.s32 s10, $0x1;
	s10 =	sld [smem:$0x3FB2]  }
0x3d: {  	_ =	shalt  }
0x3e: {  	_ =	shalt  }
0x3f: {  	_ =	shalt  }
0x40: {  	_ =	shalt  }
0x41: {  	_ =	shalt  }
0x42: {  	_ =	shalt  }
0x43: {  	_ =	shalt  }
0x44: {  	_ =	shalt  }
0x45: {  	_ =	shalt  }
0x46: {  	_ =	shalt  }
0x47: {  	_ =	shalt  }
0x48: {  	_ =	shalt  }
0x49: {  	_ =	shalt  }
0x4a: {  	_ =	shalt  }
0x4b: {  	_ =	shalt  }
0x4c: {  	_ =	shalt  }
0x4d: {  	_ =	shalt  }
0x4e: {  	_ =	shalt  }
0x4f: {  	_ =	shalt  }
0x50: {  	_ =	shalt  }
0x51: {  	_ =	shalt  }
0x52: {  	_ =	shalt  }
0x53: {  	_ =	shalt  }
0x54: {  	_ =	shalt  }
0x55: {  	_ =	shalt  }
0x56: {  	_ =	shalt  }
0x57: {  	_ =	shalt  }
0x58: {  	_ =	shalt  }
0x59: {  	_ =	shalt  }
0x5a: {  	_ =	shalt  }
0x5b: {  	_ =	shalt  }
0x5c: {  	_ =	shalt  }
0x5d: {  	_ =	shalt  }
0x5e: {  	_ =	shalt  }
0x5f: {  	_ =	shalt  }
0x60: {  	_ =	shalt  }
0x61: {  	_ =	shalt  }
0x62: {  	_ =	shalt  }
0x63: {  	_ =	shalt  }
0x64: {  	_ =	shalt  }
0x65: {  	_ =	shalt  }
0x66: {  	_ =	shalt  }
0x67: {  	_ =	shalt  }
0x68: {  	_ =	shalt  }
0x69: {  	_ =	shalt  }
0x6a: {  	_ =	shalt  }
0x6b: {  	_ =	shalt  }
0x6c: {  	_ =	shalt  }
0x6d: {  	_ =	shalt  }
0x6e: {  	_ =	shalt  }
0x6f: {  	_ =	shalt  }
0x70: {  	_ =	shalt  }
0x71: {  	_ =	shalt  }
0x72: {  	_ =	shalt  }
0x73: {  	_ =	shalt  }
0x74: {  	_ =	shalt  }
0x75: {  	_ =	shalt  }
0x76: {  	_ =	shalt  }
0x77: {  	_ =	shalt  }
0x78: {  	_ =	shalt  }
0x79: {  	_ =	shalt  }
0x7a: {  	_ =	shalt  }
0x7b: {  	_ =	shalt  }
0x7c: {  	_ =	shalt  }
0x7d: {  	_ =	shalt  }
0x7e: {  	_ =	shalt  }
0x7f: {  	_ =	shalt  }
0x80: {  	_ =	shalt  }
0x81: {  	_ =	shalt  }
0x82: {  	_ =	shalt  }
0x83: {  	_ =	shalt  }
0x84: {  	_ =	shalt  }
0x85: {  	_ =	shalt  }
0x86: {  	_ =	shalt  }
0x87: {  	_ =	shalt  }
.Lfunc_end0:
.L_simem_size_0:
called_computation.1_lowered:
.L_overlay_start_0:
0x88: {  	s2 =	sld [smem:$0x3FD9]  }
0x89: {  	s3 =	sld [smem:$0x3FFE];
	_ =	sdelay $0x1  }
0x8a: {  	s1 =	srdreg.scid  }
0x8b: {  	s0 =	sand.u32 $0x1, s1  }
0x8c: {  	s16 =	sshll.u32 s0, $0xA;
	s2 =	sadd.s32 s3, s2  }
0x8d: {  	s2 =	sadd.s32 s2, s16  }
0x8e: {  	[smem:$0x3FBE] =	sst s2  }
0x8f: {  	_ = 	snop  }
0x90: {  	(tm) =	ssettm $0x1  }
0x91: {  	s17 =	sld [smem:$0x3FFB];
	_ =	sdelay $0x3  }
0x92: {  	_ =	strace s17  }
0x93: {  	s2 =	sld [smem:$0x3FFC];
	_ =	sdelay $0x3  }
0x94: {  	_ =	strace s2  }
0x95: {  	s2 =	sld [smem:$0x3FFD];
	_ =	sdelay $0x3  }
0x96: {  	_ =	strace s2  }
0x97: {  	_ =	strace $0x8FFFFFFF  }
0x98: {  	s18 =	sld [smem:$0x3FDB];
	_ =	sdelay $0x1  }
0x99: {  	s19 =	simm.s32 $_scs_section_size  }
0x9a: {  	s4 =	simm.s32 $_size__tile_overlayer_lowered;
	s5 =	simm.s32 $_tile_overlayer_lowered  }
0x9b: {  	s22 =	simm.s32 $0x1BFF;
	s21 =	sshll.u32 s5, $0x1;
	s2 =	sadd.s32 s19, s18  }
0x9c: {  	s6 =	simm.s32 $0x0;
	s20 =	sshll.u32 s4, $0x1;
	s4 =	sadd.s32 s21, s2  }
0x9d: {  	[timem:s6], [sflag:s22] =	dma.local [hbm:s4], s20  }
0x9e: {  	_ =	swait.ge [sflag:s22], s20  }
0x9f: {  	s3 =	ssub.s32 $0x0, s20;
	[sflag:s22] =	ssyncset.done $0x0  }
0xa0: {  	[sflag:s22] =	ssyncadd.s32 s3;
	_ =	sdelay $0x1  }
0xa1: {  	s23 =	simm.s32 $0x1B8B  }
0xa2: {  	_ =	swait.ge [sflag:s23], $0x1  }
0xa3: {  	[sflag:s23] =	ssyncset.done $0x0  }
0xa4: {  	s25 =	simm.s32 $0x1B8E;
	s24 =	sld [smem:$0x3FFE];
	[sflag:s23] =	ssyncadd.s32 $0xFFFFFFFF  }
0xa5: {  	s26 =	simm.s32 $execute0_lowered;
	[smem:$0x3FD2] =	sst s25  }
0xa6: {  	s4 =	sshll.u32 s26, $0x1;
	_ =	strace $0x80000049;
	[dreg:$0x1] =	wrdreg $0xFFFFFFFF  }
0xa7: {  	s28 =	simm.s32 $_size_execute0_lowered;
	s2 =	sadd.s32 s2, s4;
	[dreg:$0x0] =	wrdreg $0x0  }
0xa8: {  	s4 =	sshll.u32 s28, $0x1;
	[dreg:$0x2] =	wrdreg s2  }
0xa9: {  	[dreg:$0x3] =	wrdreg s4  }
0xaa: {  	[dreg:$0x4] =	wrdreg $0xC0  }
0xab: {  	_ =	task [dreg:s6], $0x5FFFF  }
0xac: {  	[dreg:$0x1] =	wrdreg $0xFFFFFFFF  }
0xad: {  	[dreg:$0x0] =	wrdreg $0x60  }
0xae: {  	[dreg:$0x2] =	wrdreg s24  }
0xaf: {  	[dreg:$0x3] =	wrdreg $0x91000  }
0xb0: {  	[dreg:$0x4] =	wrdreg $0x9  }
0xb1: {  	_ =	task.clear_ibuf [dreg:s6], $0x5FFFF;
	_ =	strace $0x90000049  }
0xb2: {  	s29 =	simm.s32 $0x9;
	_ =	strace $0x8000004B  }
0xb3: {  	_ =	swait.ge [sflag:s29], $0x1  }
0xb4: {  	[sflag:s29] =	ssyncadd.s32 $0xFFFFFFFF  }
0xb5: {  	_ =	strace $0x9000004B  }
0xb6: {  	_ =	sfence  }
0xb7: {  	s30 =	sld [smem:$0x0];
	_ =	sdelay $0x2  }
0xb8: {  	s31 =	sshll.u32 s1, $0xD;
	s1 =	sshrl.u32 s1, $0x2  }
0xb9: {  	s3 =	sand.u32 $0x4000, s31;
	s1 =	sadd.s32 s1, s30  }
0xba: {  	s0 =	sor.u32 s3, s0;
	s1 =	sshll.u32 s1, $0x11  }
0xbb: {  	s0 =	sor.u32 s1, s0  }
0xbc: {  	s0 =	sadd.s32 $0x8F2B, s0  }
0xbd: {  	[sflag:s0] =	ssyncadd.remote.s32 $0x1  }
0xbe: {  	_ =	sfence.sel $0xFFFF  }
0xbf: {  	[dreg:$0x0] =	wrdreg $0xFFFFFFFF;
	(pc) =	sbr.abs _section_cstart, $3  }
0xc0: {  	[dreg:$0x1] =	wrdreg $0xFFFFFFFF  }
0xc1: {  	_ =	task.clear_ibuf [dreg:s6], $0x2FFFF;
	_ =	strace $0x9FFFFFFF  }
0xc2: {  	(tm) =	ssettm $0x7FFFFFFF  }
0xc3: {  	_ =	shalt  }
tec
execute0_lowered:
.L_overlay_start_1:
0x0: {  	(tag) =	ssettag $0x1  }
0x1: {  	s8 =	rddreg [dreg:$0x0]  }
0x2: {  	s1 =	rddreg [dreg:$0x1]  }
0x3: {  	s3 =	srdreg.scid;
	s0 =	rddreg [dreg:$0x2];
	s2 =	simm.s32 $0x0  }
0x4: {  	s17 =	simm.s32 $0x4100;
	s18 =	simm.s32 $0x80;
	s9 =	sand.u32 $0x1, s3  }
0x5: {  	s19 =	simm.s32 $0x100;
	s20 =	simm.s32 $0x1;
	s6 =	smul.u32 $0x4F00, s9  }
0x6: {  	s21 =	simm.s32 $0x0;
	s3 =	stileid.u32;
	s7 =	smul.u32 $0x140000, s9  }
0x7: {  	[smem:$0x7FF] =	sst s2;
	s4 =	sadd.s32 $0x21400, s8;
	s10 =	smul.u32 $0x14000, s3  }
0x8: {  	s5 =	sadd.s32 $0xD600, s8;
	_ =	strace $0x8000004A;
	s13 =	smul.u32 $0x50000, s3  }
0x9: {  	s11 =	sshll.u32 s9, $0x4;
	s29 =	ssub.s32 $0x2, s9;
	s14 =	smul.u32 $0x4F0, s3  }
0xa: {  	s30 =	sshll.u32 s3, $0x6;
	s11 =	sor.u32 s3, s11;
	s9 =	sshrl.u32 s29, $0x1  }
0xb: {  	s12 =	sadd.s32 s6, s8;
	s6 =	sadd.s32 $0xDC00, s8;
	s10 =	sadd.s32 s10, s7  }
0xc: {  	s11 =	smul.u32 $0x500, s11;
	s7 =	sadd.s32 $0xD000, s8;
	s13 =	sshrl.u32 s13, $0x2  }
0xd: {  	s15 =	ssub.s32 s29, s9;
	s10 =	sshrl.u32 s10, $0x3;
	s16 =	sadd.s32 s13, s1  }
0xe: {  	s31 =	sadd.s32 s14, s12;
	s10 =	sadd.s32 s10, s8;
	s11 =	sadd.s32 s11, s8  }
0xf: {  	s8 =	sor.u32 $0x1C02, s30;
	s12 =	sadd.s32 $0x3200, s31;
	s13 =	sadd.s32 $0x17600, s31  }
0x10: {  	s14 =	sshrl.u32 s16, $0x3;
	s16 =	simm.s32 $0x6900;
	s9 =	sadd.s32 $0x53400, s10  }
0x11: {  	s10 =	sadd.s32 $0x49400, s11;
	s11 =	smax.u32 s15, $0x1;
	s15 =	simm.s32 $0x2  }
.LBB2_1:
0x12: {  	[spmem:s14], [sflag:s8] =	dma.local [hbm:s6], $0x2800  }
0x13: {  	_ =	swait.ge [sflag:s15], $0x2800  }
0x14: {  	[sflag:s15] =	ssyncset.done $0x0  }
0x15: {  	[sflag:s15] =	ssyncadd.s32 $0xFFFFD800  }
0x16: {  	[tilespmem:s16], [sflag:$0x2] =	stream.linear.gather [hbm4b:s7+s2], $0x2800, $0x38;
	[tilespmem:$0x1D100] =	vst v63  }
0x17: {  	_ =	swait.ge [sflag:s15], $0x2800  }
0x18: {  	[sflag:s15] =	ssyncset.done $0x0  }
0x19: {  	[sflag:s15] =	ssyncadd.s32 $0xFFFFD800  }
0x1a: {  	[tilespmem:s17], [sflag:$0x2] =	stream.linear.gather [hbm4b:s5+s2], $0x2800, $0x38;
	[tilespmem:$0x1D100] =	vst v63  }
0x1b: {  	_ =	swait.ge [sflag:s15], $0x2800  }
0x1c: {  	[sflag:s15] =	ssyncset.done $0x0  }
0x1d: {  	[sflag:s15] =	ssyncadd.s32 $0xFFFFD800  }
0x1e: {  	s22 =	simm.s32 $0x0;
	[bflag:$0x0] =	sbarrier.arrive $0xFFFF  }
.LBB2_2:
0x1f: {  	s23 =	sadd.s32 s22, s13  }
0x20: {  	[tilespmem:s2], [sflag:$0x2] =	stream.linear.gather [hbm4b:s23+s2], $0x80, $0x38;
	[tilespmem:$0x1D100] =	vst v63  }
0x21: {  	_ =	swait.ge [sflag:s15], $0x80  }
0x22: {  	[sflag:s15] =	ssyncset.done $0x0  }
0x23: {  	s31 =	sadd.s32 s22, s12;
	[sflag:s15] =	ssyncadd.s32 $0xFFFFFF80  }
0x24: {  	[tilespmem:s18], [sflag:$0x2] =	stream.linear.gather [hbm4b:s31+s2], $0x80, $0x38;
	[tilespmem:$0x1D100] =	vst v63  }
0x25: {  	_ =	swait.ge [sflag:s15], $0x80  }
0x26: {  	[sflag:s15] =	ssyncset.done $0x0  }
0x27: {  	[sflag:s15] =	ssyncadd.s32 $0xFFFFFF80  }
0x28: {  	[tilespmem:s19], [sflag:$0x1] =	stream.indirect.gather [hbm4b:s4+s18], $0x80, s2, s18, $0xb8;
	[tilespmem:$0x1D100] =	vst v63  }
0x29: {  	_ =	swait.ge [sflag:s20], $0x4000  }
0x2a: {  	[sflag:s20] =	ssyncset.done $0x0  }
0x2b: {  	[sflag:s20] =	ssyncadd.s32 $0xFFFFC000  }
0x2c: {  	[spmem:s1] =	stream.indirect.scatter.add.f32 [tilespmem:s19], [sflag:$0x2], $0x80, s18, s18, $0xb8;
	[tilespmem:$0x1D100] =	vst v63  }
0x2d: {  	_ =	swait.ge [sflag:s15], $0x4000  }
0x2e: {  	[sflag:s15] =	ssyncset.done $0x0  }
0x2f: {  	[sflag:s15] =	ssyncadd.s32 $0xFFFFC000  }
0x30: {  	v0 =	vld [tilespmem:$0x80];
	_ =	sdelay $0x4  }
0x31: {  	v1 =	vld [tilespmem:$0x0];
	_ =	sdelay $0x2  }
0x32: {  	v0 =	vld.idx.msk [tilespmem:v0+s17+$0x0], $0xffff;
	_ =	sdelay $0x4  }
0x33: {  	[tilespmem:v1+s16+$0x0] =	vst.idx.add.f32.msk $0xffff, v0  }
0x34: {  	v0 =	vld [tilespmem:$0x90];
	_ =	sdelay $0x4  }
0x35: {  	v1 =	vld [tilespmem:$0x10];
	_ =	sdelay $0x2  }
0x36: {  	v0 =	vld.idx.msk [tilespmem:v0+s17+$0x0], $0xffff;
	_ =	sdelay $0x4  }
0x37: {  	[tilespmem:v1+s16+$0x0] =	vst.idx.add.f32.msk $0xffff, v0  }
0x38: {  	v0 =	vld [tilespmem:$0xA0];
	_ =	sdelay $0x4  }
0x39: {  	v1 =	vld [tilespmem:$0x20];
	_ =	sdelay $0x2  }
0x3a: {  	v0 =	vld.idx.msk [tilespmem:v0+s17+$0x0], $0xffff;
	_ =	sdelay $0x4  }
0x3b: {  	[tilespmem:v1+s16+$0x0] =	vst.idx.add.f32.msk $0xffff, v0  }
0x3c: {  	v0 =	vld [tilespmem:$0xB0];
	_ =	sdelay $0x4  }
0x3d: {  	v1 =	vld [tilespmem:$0x30];
	_ =	sdelay $0x2  }
0x3e: {  	v0 =	vld.idx.msk [tilespmem:v0+s17+$0x0], $0xffff;
	_ =	sdelay $0x4  }
0x3f: {  	[tilespmem:v1+s16+$0x0] =	vst.idx.add.f32.msk $0xffff, v0  }
0x40: {  	v0 =	vld [tilespmem:$0xC0];
	_ =	sdelay $0x4  }
0x41: {  	v1 =	vld [tilespmem:$0x40];
	_ =	sdelay $0x2  }
0x42: {  	v0 =	vld.idx.msk [tilespmem:v0+s17+$0x0], $0xffff;
	_ =	sdelay $0x4  }
0x43: {  	[tilespmem:v1+s16+$0x0] =	vst.idx.add.f32.msk $0xffff, v0  }
0x44: {  	v0 =	vld [tilespmem:$0xD0];
	_ =	sdelay $0x4  }
0x45: {  	v1 =	vld [tilespmem:$0x50];
	_ =	sdelay $0x2  }
0x46: {  	v0 =	vld.idx.msk [tilespmem:v0+s17+$0x0], $0xffff;
	_ =	sdelay $0x4  }
0x47: {  	[tilespmem:v1+s16+$0x0] =	vst.idx.add.f32.msk $0xffff, v0  }
0x48: {  	v0 =	vld [tilespmem:$0xE0];
	_ =	sdelay $0x4  }
0x49: {  	v1 =	vld [tilespmem:$0x60];
	_ =	sdelay $0x2  }
0x4a: {  	v0 =	vld.idx.msk [tilespmem:v0+s17+$0x0], $0xffff;
	_ =	sdelay $0x4  }
0x4b: {  	[tilespmem:v1+s16+$0x0] =	vst.idx.add.f32.msk $0xffff, v0  }
0x4c: {  	v0 =	vld [tilespmem:$0xF0];
	_ =	sdelay $0x4  }
0x4d: {  	v1 =	vld [tilespmem:$0x70];
	_ =	sdelay $0x2  }
0x4e: {  	p0 =	sne.s32 s22, $0x4E0;
	v0 =	vld.idx.msk [tilespmem:v0+s17+$0x0], $0xffff  }
.Ltmp0:
0x4f: {  	_ = 	snop;
	(pc) =	sbr.rel @p0 .LBB2_2-.Ltmp0, $2  }
0x50: {  	_ =	sdelay $0x2  }
0x51: {  	s22 =	sadd.s32 $0x10, s22;
	[tilespmem:v1+s16+$0x0] =	vst.idx.add.f32.msk $0xffff, v0  }
0x52: {  	[bflag:$0x0] =	sbarrier.arrive $0xFFFF  }
0x53: {  	[hbm:s9], [sflag:s8] =	dma.local [spmem:s14], $0x2800  }
0x54: {  	s21 =	sadd.s32 $0x1, s21;
	_ =	swait.ge [sflag:s15], $0x2800  }
0x55: {  	p0 =	sne.s32 s21, s11;
	[sflag:s15] =	ssyncset.done $0x0  }
.Ltmp1:
0x56: {  	[sflag:s15] =	ssyncadd.s32 $0xFFFFD800;
	(pc) =	sbr.rel @p0 .LBB2_1-.Ltmp1, $4  }
0x57: {  	[hbm4b:s10+s2] =	stream.linear.scatter [tilespmem:s16], [sflag:$0x2], $0x2800, $0x38;
	[tilespmem:$0x1D100] =	vst v63  }
0x58: {  	_ =	swait.ge [sflag:s15], $0x2800  }
0x59: {  	[sflag:s15] =	ssyncset.done $0x0  }
0x5a: {  	[sflag:s15] =	ssyncadd.s32 $0xFFFFD800  }
0x5b: {  	_ =	sfence.sel $0x180000  }
0x5c: {  	[bflag:$0x0] =	sbarrier.arrive $0xFFFF  }
0x5d: {  	p0 =	sne.s32 s3, $0x0;
	_ =	strace $0x9000004A  }
0x5e: {  	s0 =	sadd.s32 @!p0 $0x100000, s0;
	[bflag:$0x2] =	sbarrier.arrive $0xFFFF  }
0x5f: {  	[sflag:s0] =	ssyncadd.tile.s32 @!p0 $0x1;
	_ =	shalt  }
.Lfunc_end2:
_tile_overlayer_lowered:
.L_overlay_start_2:
0x60: {  	(tag) =	ssettag $0x2  }
0x61: {  	s0 =	rddreg [dreg:$0x0];
	s2 =	stileid.u32  }
0x62: {  	s1 =	rddreg [dreg:$0x1];
	p0 =	sne.s32 s2, $0x0  }
0x63: {  	s3 =	rddreg [dreg:$0x2];
	[bflag:$0x3] =	sbarrier.arrive $0xFFFF;
	s2 =	simm.s32 @!p0 $0x1C02  }
0x64: {  	[timem:s3], [sflag:s2] =	dma.local @!p0 [hbm:s0], s1  }
0x65: {  	s0 =	simm.s32 @!p0 $0x2  }
0x66: {  	_ =	swait.ge @!p0 [sflag:s0], s1  }
0x67: {  	s1 =	ssub.s32 @!p0 $0x0, s1;
	[sflag:s0] =	ssyncset.done @!p0 $0x0  }
0x68: {  	[sflag:s0] =	ssyncadd.s32 @!p0 s1  }
0x69: {  	[bflag:$0x3] =	sbarrier.arrive $0xFFFF  }
0x6a: {  	_ =	shalt  }

// kernel: kernel.14.cloned.1.call-start
scs
__scs_entry_jumppad:
0x0: {  	(pc) =	sbr.rel $0x88, $3  }
0x1: {  	(tag) =	ssettag $0x0;
	lr =	simm.s32 $0x1  }
0x2: {  	[smem:$0x3F97] =	sst lr;
	_ =	strace $0xD0000000  }
0x3: {  	_ = 	snop  }
0x4: {  	_ = 	snop  }
0x5: {  	_ = 	snop  }
0x6: {  	_ = 	snop  }
0x7: {  	_ = 	snop  }
__scs_overlays_trampoline_lowered:
0x8: {  	[smem:$0x3FA6] =	sst s0  }
0x9: {  	[smem:$0x3FA7] =	sst s1  }
0xa: {  	[smem:$0x3FA8] =	sst s2  }
0xb: {  	[smem:$0x3FA9] =	sst s3  }
0xc: {  	[smem:$0x3FAA] =	sst s4  }
0xd: {  	[smem:$0x3FAB] =	sst s5  }
0xe: {  	[smem:$0x3FAC] =	sst s6  }
0xf: {  	[smem:$0x3FAD] =	sst s7  }
0x10: {  	[smem:$0x3FAE] =	sst s8  }
0x11: {  	[smem:$0x3FAF] =	sst s9;
	s0 =	simm.s32 @!p0 $0x0  }
0x12: {  	s1 =	sld [smem:$0x3F95];
	s0 =	simm.s32 @p0 $0x1  }
0x13: {  	[smem:$0x3FB0] =	sst s0;
	s0 =	simm.s32 @!p1 $0x0  }
0x14: {  	s2 =	sld [smem:$0x3F94];
	s0 =	simm.s32 @p1 $0x1  }
0x15: {  	[smem:$0x3FB1] =	sst s0;
	s0 =	simm.s32 @!p2 $0x0  }
0x16: {  	s3 =	sld [smem:$0x3FDB];
	s0 =	simm.s32 @p2 $0x1  }
0x17: {  	s4 =	simm.s32 $0x1BF5;
	[smem:$0x3FB3] =	sst s0  }
0x18: {  	s0 =	sld [smem:$0x3F96];
	_ =	swait.ge [sflag:s4], $0x0  }
0x19: {  	s7 =	sld [smem:$0x3F97]  }
0x1a: {  	s8 =	sadd.s32 $0xFFFFE003, lr  }
0x1b: {  	s9 =	sadd.s32 $0xFFFFFEF7, lr;
	s5 =	simm.s32 $0xFFFFFFFF;
	p2 =	slt.u32 s8, $0xFFFFF086  }
0x1c: {  	p1 =	slt.u32 s9, $0xF7A;
	s5 =	simm.s32 @!p2 $0x0  }
0x1d: {  	s5 =	simm.s32 @p1 $0x1;
	p0 =	seq.s32 s7, s2  }
0x1e: {  	s7 =	smul.u32 @!p0 $0xF7A, s2;
	p2 =	seq.s32 @!p0 s5, $0x0  }
0x1f: {  	s9 =	smul.u32 $0xF7A, s1;
	s8 =	simm.s32 @!p0 $0x1BF5;
	p2 =	por !p2, p0  }
0x20: {  	[sflag:s8] =	ssyncset.s32 @!p0 $0xFFFFF086;
	s6 =	sadd.s32 @!p0 s3, s7;
	s7 =	simm.s32 @!p0 $0x108  }
0x21: {  	s3 =	sadd.s32 s3, s9;
	s6 =	sadd.s32 @!p0 $0x88, s6;
	s7 =	simm.s32 @p2 $0x1082  }
0x22: {  	[simem:s7], [sflag:s8] =	dma.local @!p0 [hbm:s6], $0xF7A  }
0x23: {  	s9 =	sor.u32 $0xD0000000, s2;
	s6 =	simm.s32 $0x108;
	_ =	swait.ge @!p0 [sflag:s8], $0x0  }
0x24: {  	s3 =	sadd.s32 $0x88, s3;
	s6 =	simm.s32 @!p1 $0x1082;
	[sflag:s4] =	ssyncset.s32 $0xFFFFF086  }
0x25: {  	[simem:s6], [sflag:s4] =	dma.local [hbm:s3], $0xF7A  }
0x26: {  	[smem:$0x3F97] =	sst s1;
	(tag) =	ssettag s2;
	_ =	strace s9  }
0x27: {  	s1 =	sld [smem:$0x3FA7]  }
0x28: {  	s2 =	sld [smem:$0x3FA8]  }
0x29: {  	s4 =	sld [smem:$0x3FAA]  }
0x2a: {  	p0 =	seq.s32 s5, $0x0;
	s5 =	sld [smem:$0x3FAB]  }
0x2b: {  	s6 =	sld [smem:$0x3FAC]  }
0x2c: {  	s7 =	sld [smem:$0x3FAD]  }
0x2d: {  	s3 =	simm.s32 $0x108;
	s8 =	sld [smem:$0x3FAE]  }
0x2e: {  	s3 =	simm.s32 @!p0 $0x1082;
	s9 =	sld [smem:$0x3FAF]  }
0x2f: {  	lr =	sadd.s32 s0, s3;
	s0 =	sld [smem:$0x3FA6]  }
0x30: {  	s3 =	sld [smem:$0x3FA9]  }
0x31: {  	[smem:$0x3FB2] =	sst s10  }
0x32: {  	s10 =	sld [smem:$0x3FB0];
	_ =	sdelay $0x3  }
0x33: {  	p0 =	seq.s32 s10, $0x1;
	s10 =	sld [smem:$0x3FB2];
	_ =	sdelay $0x3  }
0x34: {  	[smem:$0x3FB2] =	sst s10  }
0x35: {  	s10 =	sld [smem:$0x3FB1];
	_ =	sdelay $0x3  }
0x36: {  	p1 =	seq.s32 s10, $0x1;
	s10 =	sld [smem:$0x3FB2];
	_ =	sdelay $0x3  }
0x37: {  	[smem:$0x3FB2] =	sst s10  }
0x38: {  	s10 =	sld [smem:$0x3FB3]  }
0x39: {  	_ = 	snop;
	(pc) =	sbr.ind lr, $3  }
0x3a: {  	_ = 	snop  }
0x3b: {  	_ = 	snop  }
0x3c: {  	p2 =	seq.s32 s10, $0x1;
	s10 =	sld [smem:$0x3FB2]  }
0x3d: {  	_ =	shalt  }
0x3e: {  	_ =	shalt  }
0x3f: {  	_ =	shalt  }
0x40: {  	_ =	shalt  }
0x41: {  	_ =	shalt  }
0x42: {  	_ =	shalt  }
0x43: {  	_ =	shalt  }
0x44: {  	_ =	shalt  }
0x45: {  	_ =	shalt  }
0x46: {  	_ =	shalt  }
0x47: {  	_ =	shalt  }
0x48: {  	_ =	shalt  }
0x49: {  	_ =	shalt  }
0x4a: {  	_ =	shalt  }
0x4b: {  	_ =	shalt  }
0x4c: {  	_ =	shalt  }
0x4d: {  	_ =	shalt  }
0x4e: {  	_ =	shalt  }
0x4f: {  	_ =	shalt  }
0x50: {  	_ =	shalt  }
0x51: {  	_ =	shalt  }
0x52: {  	_ =	shalt  }
0x53: {  	_ =	shalt  }
0x54: {  	_ =	shalt  }
0x55: {  	_ =	shalt  }
0x56: {  	_ =	shalt  }
0x57: {  	_ =	shalt  }
0x58: {  	_ =	shalt  }
0x59: {  	_ =	shalt  }
0x5a: {  	_ =	shalt  }
0x5b: {  	_ =	shalt  }
0x5c: {  	_ =	shalt  }
0x5d: {  	_ =	shalt  }
0x5e: {  	_ =	shalt  }
0x5f: {  	_ =	shalt  }
0x60: {  	_ =	shalt  }
0x61: {  	_ =	shalt  }
0x62: {  	_ =	shalt  }
0x63: {  	_ =	shalt  }
0x64: {  	_ =	shalt  }
0x65: {  	_ =	shalt  }
0x66: {  	_ =	shalt  }
0x67: {  	_ =	shalt  }
0x68: {  	_ =	shalt  }
0x69: {  	_ =	shalt  }
0x6a: {  	_ =	shalt  }
0x6b: {  	_ =	shalt  }
0x6c: {  	_ =	shalt  }
0x6d: {  	_ =	shalt  }
0x6e: {  	_ =	shalt  }
0x6f: {  	_ =	shalt  }
0x70: {  	_ =	shalt  }
0x71: {  	_ =	shalt  }
0x72: {  	_ =	shalt  }
0x73: {  	_ =	shalt  }
0x74: {  	_ =	shalt  }
0x75: {  	_ =	shalt  }
0x76: {  	_ =	shalt  }
0x77: {  	_ =	shalt  }
0x78: {  	_ =	shalt  }
0x79: {  	_ =	shalt  }
0x7a: {  	_ =	shalt  }
0x7b: {  	_ =	shalt  }
0x7c: {  	_ =	shalt  }
0x7d: {  	_ =	shalt  }
0x7e: {  	_ =	shalt  }
0x7f: {  	_ =	shalt  }
0x80: {  	_ =	shalt  }
0x81: {  	_ =	shalt  }
0x82: {  	_ =	shalt  }
0x83: {  	_ =	shalt  }
0x84: {  	_ =	shalt  }
0x85: {  	_ =	shalt  }
0x86: {  	_ =	shalt  }
0x87: {  	_ =	shalt  }
.Lfunc_end0:
.L_simem_size_0:
called_computation.2_lowered:
.L_overlay_start_0:
0x88: {  	s2 =	sld [smem:$0x3FD9]  }
0x89: {  	s3 =	sld [smem:$0x3FFE];
	_ =	sdelay $0x1  }
0x8a: {  	s1 =	srdreg.scid  }
0x8b: {  	s0 =	sand.u32 $0x1, s1  }
0x8c: {  	s16 =	sshll.u32 s0, $0xA;
	s2 =	sadd.s32 s3, s2  }
0x8d: {  	s2 =	sadd.s32 s2, s16  }
0x8e: {  	[smem:$0x3FBE] =	sst s2  }
0x8f: {  	_ = 	snop  }
0x90: {  	(tm) =	ssettm $0x1  }
0x91: {  	s17 =	sld [smem:$0x3FFB];
	_ =	sdelay $0x3  }
0x92: {  	_ =	strace s17  }
0x93: {  	s2 =	sld [smem:$0x3FFC];
	_ =	sdelay $0x3  }
0x94: {  	_ =	strace s2  }
0x95: {  	s2 =	sld [smem:$0x3FFD];
	_ =	sdelay $0x3  }
0x96: {  	_ =	strace s2  }
0x97: {  	_ =	strace $0x8FFFFFFF  }
0x98: {  	s18 =	sld [smem:$0x3FDB];
	_ =	sdelay $0x1  }
0x99: {  	s19 =	simm.s32 $_scs_section_size  }
0x9a: {  	s4 =	simm.s32 $_size__tile_overlayer_lowered;
	s5 =	simm.s32 $_tile_overlayer_lowered  }
0x9b: {  	s22 =	simm.s32 $0x1BFF;
	s21 =	sshll.u32 s5, $0x1;
	s2 =	sadd.s32 s19, s18  }
0x9c: {  	s6 =	simm.s32 $0x0;
	s20 =	sshll.u32 s4, $0x1;
	s4 =	sadd.s32 s21, s2  }
0x9d: {  	[timem:s6], [sflag:s22] =	dma.local [hbm:s4], s20  }
0x9e: {  	_ =	swait.ge [sflag:s22], s20  }
0x9f: {  	s3 =	ssub.s32 $0x0, s20;
	[sflag:s22] =	ssyncset.done $0x0  }
0xa0: {  	[sflag:s22] =	ssyncadd.s32 s3;
	_ =	sdelay $0x1  }
0xa1: {  	s23 =	simm.s32 $0x1B8B  }
0xa2: {  	_ =	swait.ge [sflag:s23], $0x1  }
0xa3: {  	[sflag:s23] =	ssyncset.done $0x0  }
0xa4: {  	s25 =	simm.s32 $0x1B8E;
	s24 =	sld [smem:$0x3FFE];
	[sflag:s23] =	ssyncadd.s32 $0xFFFFFFFF  }
0xa5: {  	s26 =	simm.s32 $execute0_lowered;
	[smem:$0x3FD2] =	sst s25  }
0xa6: {  	s4 =	sshll.u32 s26, $0x1;
	_ =	strace $0x8000004C;
	[dreg:$0x1] =	wrdreg $0xFFFFFFFF  }
0xa7: {  	s28 =	simm.s32 $_size_execute0_lowered;
	s2 =	sadd.s32 s2, s4;
	[dreg:$0x0] =	wrdreg $0x0  }
0xa8: {  	s4 =	sshll.u32 s28, $0x1;
	[dreg:$0x2] =	wrdreg s2  }
0xa9: {  	[dreg:$0x3] =	wrdreg s4  }
0xaa: {  	[dreg:$0x4] =	wrdreg $0xC0  }
0xab: {  	_ =	task [dreg:s6], $0x5FFFF  }
0xac: {  	[dreg:$0x1] =	wrdreg $0xFFFFFFFF  }
0xad: {  	[dreg:$0x0] =	wrdreg $0x60  }
0xae: {  	[dreg:$0x2] =	wrdreg s24  }
0xaf: {  	[dreg:$0x3] =	wrdreg $0x41000  }
0xb0: {  	[dreg:$0x4] =	wrdreg $0x9  }
0xb1: {  	_ =	task.clear_ibuf [dreg:s6], $0x5FFFF;
	_ =	strace $0x9000004C  }
0xb2: {  	s29 =	simm.s32 $0x9;
	_ =	strace $0x8000004E  }
0xb3: {  	_ =	swait.ge [sflag:s29], $0x1  }
0xb4: {  	[sflag:s29] =	ssyncadd.s32 $0xFFFFFFFF  }
0xb5: {  	_ =	strace $0x9000004E  }
0xb6: {  	_ =	sfence  }
0xb7: {  	s30 =	sld [smem:$0x0];
	_ =	sdelay $0x2  }
0xb8: {  	s31 =	sshll.u32 s1, $0xD;
	s1 =	sshrl.u32 s1, $0x2  }
0xb9: {  	s3 =	sand.u32 $0x4000, s31;
	s1 =	sadd.s32 s1, s30  }
0xba: {  	s0 =	sor.u32 s3, s0;
	s1 =	sshll.u32 s1, $0x11  }
0xbb: {  	s0 =	sor.u32 s1, s0  }
0xbc: {  	s0 =	sadd.s32 $0x8F2B, s0  }
0xbd: {  	[sflag:s0] =	ssyncadd.remote.s32 $0x1  }
0xbe: {  	_ =	sfence.sel $0xFFFF  }
0xbf: {  	[dreg:$0x0] =	wrdreg $0xFFFFFFFF;
	(pc) =	sbr.abs _section_cstart, $3  }
0xc0: {  	[dreg:$0x1] =	wrdreg $0xFFFFFFFF  }
0xc1: {  	_ =	task.clear_ibuf [dreg:s6], $0x2FFFF;
	_ =	strace $0x9FFFFFFF  }
0xc2: {  	(tm) =	ssettm $0x7FFFFFFF  }
0xc3: {  	_ =	shalt  }
tec
execute0_lowered:
.L_overlay_start_1:
0x0: {  	(tag) =	ssettag $0x1  }
0x1: {  	s6 =	rddreg [dreg:$0x0];
	s0 =	srdreg.scid  }
0x2: {  	s2 =	rddreg [dreg:$0x1];
	s1 =	stileid.u32;
	s3 =	simm.s32 $0x0  }
0x3: {  	s14 =	simm.s32 $0x100;
	s15 =	simm.s32 $0x1;
	s8 =	smul.u32 $0x14000, s1  }
0x4: {  	s7 =	sand.u32 $0x1, s0;
	s0 =	rddreg [dreg:$0x2];
	s10 =	smul.u32 $0x50000, s1  }
0x5: {  	s16 =	simm.s32 $0x0;
	[smem:$0x7FF] =	sst s3;
	s11 =	smul.u32 $0x4F0, s1  }
0x6: {  	s4 =	sadd.s32 $0x21400, s6;
	s30 =	sshll.u32 s1, $0x6;
	s5 =	smul.u32 $0x140000, s7  }
0x7: {  	s9 =	smul.u32 $0x4F00, s7;
	_ =	strace $0x8000004D;
	s29 =	ssub.s32 $0x2, s7  }
0x8: {  	s7 =	sshrl.u32 s29, $0x1;
	s10 =	sshrl.u32 s10, $0x2;
	s5 =	sadd.s32 s8, s5  }
0x9: {  	s26 =	sadd.s32 s9, s6;
	s12 =	ssub.s32 s29, s7;
	s13 =	sadd.s32 s10, s2  }
0xa: {  	s28 =	sshrl.u32 s5, $0x3;
	s5 =	sadd.s32 $0xDC00, s6;
	s31 =	sadd.s32 s11, s26  }
0xb: {  	s8 =	smax.u32 s12, $0x1;
	s11 =	sshrl.u32 s13, $0x3;
	s12 =	simm.s32 $0x2  }
0xc: {  	s13 =	simm.s32 $0x80;
	s9 =	sadd.s32 s28, s6;
	s6 =	sor.u32 $0x1C02, s30  }
0xd: {  	s10 =	sadd.s32 $0x17600, s31;
	s7 =	sadd.s32 $0x49400, s9;
	s9 =	sadd.s32 $0x3200, s31  }
.LBB2_1:
0xe: {  	[spmem:s11], [sflag:s6] =	dma.local [hbm:s5], $0x2800  }
0xf: {  	_ =	swait.ge [sflag:s12], $0x2800  }
0x10: {  	[sflag:s12] =	ssyncset.done $0x0  }
0x11: {  	[sflag:s12] =	ssyncadd.s32 $0xFFFFD800  }
0x12: {  	s17 =	sadd.s32 $0x0, s10;
	[bflag:$0x0] =	sbarrier.arrive $0xFFFF  }
0x13: {  	[tilespmem:s3], [sflag:$0x2] =	stream.linear.gather [hbm4b:s17+s3], $0x80, $0x38;
	[tilespmem:$0x18100] =	vst v63  }
0x14: {  	_ =	swait.ge [sflag:s12], $0x80  }
0x15: {  	[sflag:s12] =	ssyncset.done $0x0  }
0x16: {  	s31 =	sadd.s32 $0x0, s9;
	[sflag:s12] =	ssyncadd.s32 $0xFFFFFF80  }
0x17: {  	[tilespmem:s13], [sflag:$0x2] =	stream.linear.gather [hbm4b:s31+s3], $0x80, $0x38;
	[tilespmem:$0x18100] =	vst v63  }
0x18: {  	_ =	swait.ge [sflag:s12], $0x80  }
0x19: {  	[sflag:s12] =	ssyncset.done $0x0  }
0x1a: {  	[sflag:s12] =	ssyncadd.s32 $0xFFFFFF80  }
0x1b: {  	[tilespmem:s14], [sflag:$0x1] =	stream.indirect.gather [hbm4b:s4+s13], $0x80, s3, s13, $0xb8;
	[tilespmem:$0x18100] =	vst v63  }
0x1c: {  	_ =	swait.ge [sflag:s15], $0x4000  }
0x1d: {  	[sflag:s15] =	ssyncset.done $0x0  }
0x1e: {  	[sflag:s15] =	ssyncadd.s32 $0xFFFFC000  }
0x1f: {  	[spmem:s2] =	stream.indirect.scatter.add.f32 [tilespmem:s14], [sflag:$0x2], $0x80, s13, s13, $0xb8;
	[tilespmem:$0x18100] =	vst v63  }
0x20: {  	_ =	swait.ge [sflag:s12], $0x4000  }
0x21: {  	s18 =	simm.s32 $0x20;
	s17 =	simm.s32 $0x10;
	[sflag:s12] =	ssyncset.done $0x0  }
.LBB2_2:
0x22: {  	s19 =	sadd.s32 s17, s10  }
0x23: {  	[sflag:s12] =	ssyncadd.s32 $0xFFFFC000;
	s20 =	smov.u32 s18;
	s21 =	sadd.s32 $0x10, s18  }
0x24: {  	[tilespmem:s3], [sflag:$0x2] =	stream.linear.gather [hbm4b:s19+s3], $0x80, $0x38;
	[tilespmem:$0x18100] =	vst v63  }
0x25: {  	p0 =	sne.s32 s18, $0x4E0;
	_ =	swait.ge [sflag:s12], $0x80  }
0x26: {  	[sflag:s12] =	ssyncset.done $0x0  }
0x27: {  	s18 =	sadd.s32 s17, s9;
	s17 =	smov.u32 s20;
	[sflag:s12] =	ssyncadd.s32 $0xFFFFFF80  }
0x28: {  	[tilespmem:s13], [sflag:$0x2] =	stream.linear.gather [hbm4b:s18+s3], $0x80, $0x38;
	[tilespmem:$0x18100] =	vst v63  }
0x29: {  	_ =	swait.ge [sflag:s12], $0x80  }
0x2a: {  	[sflag:s12] =	ssyncset.done $0x0  }
0x2b: {  	[sflag:s12] =	ssyncadd.s32 $0xFFFFFF80  }
0x2c: {  	[tilespmem:s14], [sflag:$0x1] =	stream.indirect.gather [hbm4b:s4+s13], $0x80, s3, s13, $0xb8;
	[tilespmem:$0x18100] =	vst v63  }
0x2d: {  	_ =	swait.ge [sflag:s15], $0x4000  }
.Ltmp0:
0x2e: {  	[sflag:s15] =	ssyncset.done $0x0;
	(pc) =	sbr.rel @p0 .LBB2_2-.Ltmp0, $4  }
0x2f: {  	[sflag:s15] =	ssyncadd.s32 $0xFFFFC000  }
0x30: {  	[spmem:s2] =	stream.indirect.scatter.add.f32 [tilespmem:s14], [sflag:$0x2], $0x80, s13, s13, $0xb8;
	[tilespmem:$0x18100] =	vst v63  }
0x31: {  	_ =	swait.ge [sflag:s12], $0x4000  }
0x32: {  	s18 =	smov.u32 s21;
	[sflag:s12] =	ssyncset.done $0x0  }
0x33: {  	s18 =	sadd.s32 s17, s10;
	[sflag:s12] =	ssyncadd.s32 $0xFFFFC000  }
0x34: {  	[tilespmem:s3], [sflag:$0x2] =	stream.linear.gather [hbm4b:s18+s3], $0x80, $0x38;
	[tilespmem:$0x18100] =	vst v63  }
0x35: {  	_ =	swait.ge [sflag:s12], $0x80  }
0x36: {  	[sflag:s12] =	ssyncset.done $0x0  }
0x37: {  	s31 =	sadd.s32 s17, s9;
	[sflag:s12] =	ssyncadd.s32 $0xFFFFFF80  }
0x38: {  	[tilespmem:s13], [sflag:$0x2] =	stream.linear.gather [hbm4b:s31+s3], $0x80, $0x38;
	[tilespmem:$0x18100] =	vst v63  }
0x39: {  	_ =	swait.ge [sflag:s12], $0x80  }
0x3a: {  	[sflag:s12] =	ssyncset.done $0x0  }
0x3b: {  	[sflag:s12] =	ssyncadd.s32 $0xFFFFFF80  }
0x3c: {  	[tilespmem:s14], [sflag:$0x1] =	stream.indirect.gather [hbm4b:s4+s13], $0x80, s3, s13, $0xb8;
	[tilespmem:$0x18100] =	vst v63  }
0x3d: {  	_ =	swait.ge [sflag:s15], $0x4000  }
0x3e: {  	[sflag:s15] =	ssyncset.done $0x0  }
0x3f: {  	[sflag:s15] =	ssyncadd.s32 $0xFFFFC000  }
0x40: {  	[spmem:s2] =	stream.indirect.scatter.add.f32 [tilespmem:s14], [sflag:$0x2], $0x80, s13, s13, $0xb8;
	[tilespmem:$0x18100] =	vst v63  }
0x41: {  	_ =	swait.ge [sflag:s12], $0x4000  }
0x42: {  	s16 =	sadd.s32 $0x1, s16;
	[sflag:s12] =	ssyncset.done $0x0  }
0x43: {  	p0 =	sne.s32 s16, s8;
	[sflag:s12] =	ssyncadd.s32 $0xFFFFC000  }
.Ltmp1:
0x44: {  	[bflag:$0x0] =	sbarrier.arrive $0xFFFF;
	(pc) =	sbr.rel @p0 .LBB2_1-.Ltmp1, $4  }
0x45: {  	[hbm:s7], [sflag:s6] =	dma.local [spmem:s11], $0x2800  }
0x46: {  	_ =	swait.ge [sflag:s12], $0x2800  }
0x47: {  	[sflag:s12] =	ssyncset.done $0x0  }
0x48: {  	[sflag:s12] =	ssyncadd.s32 $0xFFFFD800  }
0x49: {  	_ =	sfence.sel $0x180000  }
0x4a: {  	[bflag:$0x0] =	sbarrier.arrive $0xFFFF  }
0x4b: {  	p0 =	sne.s32 s1, $0x0;
	_ =	strace $0x9000004D  }
0x4c: {  	s0 =	sadd.s32 @!p0 $0x100000, s0;
	[bflag:$0x2] =	sbarrier.arrive $0xFFFF  }
0x4d: {  	[sflag:s0] =	ssyncadd.tile.s32 @!p0 $0x1;
	_ =	shalt  }
.Lfunc_end2:
_tile_overlayer_lowered:
.L_overlay_start_2:
0x4e: {  	(tag) =	ssettag $0x2  }
0x4f: {  	s0 =	rddreg [dreg:$0x0];
	s2 =	stileid.u32  }
0x50: {  	s1 =	rddreg [dreg:$0x1];
	p0 =	sne.s32 s2, $0x0  }
0x51: {  	s3 =	rddreg [dreg:$0x2];
	[bflag:$0x3] =	sbarrier.arrive $0xFFFF;
	s2 =	simm.s32 @!p0 $0x1C02  }
0x52: {  	[timem:s3], [sflag:s2] =	dma.local @!p0 [hbm:s0], s1  }
0x53: {  	s0 =	simm.s32 @!p0 $0x2  }
0x54: {  	_ =	swait.ge @!p0 [sflag:s0], s1  }
0x55: {  	s1 =	ssub.s32 @!p0 $0x0, s1;
	[sflag:s0] =	ssyncset.done @!p0 $0x0  }
0x56: {  	[sflag:s0] =	ssyncadd.s32 @!p0 s1  }
0x57: {  	[bflag:$0x3] =	sbarrier.arrive $0xFFFF  }
0x58: {  	_ =	shalt  }

// kernel: kernel.8.cloned.1.call-start
scs
__scs_entry_jumppad:
0x0: {  	(pc) =	sbr.rel $0x88, $3  }
0x1: {  	(tag) =	ssettag $0x0;
	lr =	simm.s32 $0x1  }
0x2: {  	[smem:$0x3F97] =	sst lr;
	_ =	strace $0xD0000000  }
0x3: {  	_ = 	snop  }
0x4: {  	_ = 	snop  }
0x5: {  	_ = 	snop  }
0x6: {  	_ = 	snop  }
0x7: {  	_ = 	snop  }
__scs_overlays_trampoline_lowered:
0x8: {  	[smem:$0x3FA6] =	sst s0  }
0x9: {  	[smem:$0x3FA7] =	sst s1  }
0xa: {  	[smem:$0x3FA8] =	sst s2  }
0xb: {  	[smem:$0x3FA9] =	sst s3  }
0xc: {  	[smem:$0x3FAA] =	sst s4  }
0xd: {  	[smem:$0x3FAB] =	sst s5  }
0xe: {  	[smem:$0x3FAC] =	sst s6  }
0xf: {  	[smem:$0x3FAD] =	sst s7  }
0x10: {  	[smem:$0x3FAE] =	sst s8  }
0x11: {  	[smem:$0x3FAF] =	sst s9;
	s0 =	simm.s32 @!p0 $0x0  }
0x12: {  	s1 =	sld [smem:$0x3F95];
	s0 =	simm.s32 @p0 $0x1  }
0x13: {  	[smem:$0x3FB0] =	sst s0;
	s0 =	simm.s32 @!p1 $0x0  }
0x14: {  	s2 =	sld [smem:$0x3F94];
	s0 =	simm.s32 @p1 $0x1  }
0x15: {  	[smem:$0x3FB1] =	sst s0;
	s0 =	simm.s32 @!p2 $0x0  }
0x16: {  	s3 =	sld [smem:$0x3FDB];
	s0 =	simm.s32 @p2 $0x1  }
0x17: {  	s4 =	simm.s32 $0x1BF5;
	[smem:$0x3FB3] =	sst s0  }
0x18: {  	s0 =	sld [smem:$0x3F96];
	_ =	swait.ge [sflag:s4], $0x0  }
0x19: {  	s7 =	sld [smem:$0x3F97]  }
0x1a: {  	s8 =	sadd.s32 $0xFFFFE003, lr  }
0x1b: {  	s9 =	sadd.s32 $0xFFFFFEF7, lr;
	s5 =	simm.s32 $0xFFFFFFFF;
	p2 =	slt.u32 s8, $0xFFFFF086  }
0x1c: {  	p1 =	slt.u32 s9, $0xF7A;
	s5 =	simm.s32 @!p2 $0x0  }
0x1d: {  	s5 =	simm.s32 @p1 $0x1;
	p0 =	seq.s32 s7, s2  }
0x1e: {  	s7 =	smul.u32 @!p0 $0xF7A, s2;
	p2 =	seq.s32 @!p0 s5, $0x0  }
0x1f: {  	s9 =	smul.u32 $0xF7A, s1;
	s8 =	simm.s32 @!p0 $0x1BF5;
	p2 =	por !p2, p0  }
0x20: {  	[sflag:s8] =	ssyncset.s32 @!p0 $0xFFFFF086;
	s6 =	sadd.s32 @!p0 s3, s7;
	s7 =	simm.s32 @!p0 $0x108  }
0x21: {  	s3 =	sadd.s32 s3, s9;
	s6 =	sadd.s32 @!p0 $0x88, s6;
	s7 =	simm.s32 @p2 $0x1082  }
0x22: {  	[simem:s7], [sflag:s8] =	dma.local @!p0 [hbm:s6], $0xF7A  }
0x23: {  	s9 =	sor.u32 $0xD0000000, s2;
	s6 =	simm.s32 $0x108;
	_ =	swait.ge @!p0 [sflag:s8], $0x0  }
0x24: {  	s3 =	sadd.s32 $0x88, s3;
	s6 =	simm.s32 @!p1 $0x1082;
	[sflag:s4] =	ssyncset.s32 $0xFFFFF086  }
0x25: {  	[simem:s6], [sflag:s4] =	dma.local [hbm:s3], $0xF7A  }
0x26: {  	[smem:$0x3F97] =	sst s1;
	(tag) =	ssettag s2;
	_ =	strace s9  }
0x27: {  	s1 =	sld [smem:$0x3FA7]  }
0x28: {  	s2 =	sld [smem:$0x3FA8]  }
0x29: {  	s4 =	sld [smem:$0x3FAA]  }
0x2a: {  	p0 =	seq.s32 s5, $0x0;
	s5 =	sld [smem:$0x3FAB]  }
0x2b: {  	s6 =	sld [smem:$0x3FAC]  }
0x2c: {  	s7 =	sld [smem:$0x3FAD]  }
0x2d: {  	s3 =	simm.s32 $0x108;
	s8 =	sld [smem:$0x3FAE]  }
0x2e: {  	s3 =	simm.s32 @!p0 $0x1082;
	s9 =	sld [smem:$0x3FAF]  }
0x2f: {  	lr =	sadd.s32 s0, s3;
	s0 =	sld [smem:$0x3FA6]  }
0x30: {  	s3 =	sld [smem:$0x3FA9]  }
0x31: {  	[smem:$0x3FB2] =	sst s10  }
0x32: {  	s10 =	sld [smem:$0x3FB0];
	_ =	sdelay $0x3  }
0x33: {  	p0 =	seq.s32 s10, $0x1;
	s10 =	sld [smem:$0x3FB2];
	_ =	sdelay $0x3  }
0x34: {  	[smem:$0x3FB2] =	sst s10  }
0x35: {  	s10 =	sld [smem:$0x3FB1];
	_ =	sdelay $0x3  }
0x36: {  	p1 =	seq.s32 s10, $0x1;
	s10 =	sld [smem:$0x3FB2];
	_ =	sdelay $0x3  }
0x37: {  	[smem:$0x3FB2] =	sst s10  }
0x38: {  	s10 =	sld [smem:$0x3FB3]  }
0x39: {  	_ = 	snop;
	(pc) =	sbr.ind lr, $3  }
0x3a: {  	_ = 	snop  }
0x3b: {  	_ = 	snop  }
0x3c: {  	p2 =	seq.s32 s10, $0x1;
	s10 =	sld [smem:$0x3FB2]  }
0x3d: {  	_ =	shalt  }
0x3e: {  	_ =	shalt  }
0x3f: {  	_ =	shalt  }
0x40: {  	_ =	shalt  }
0x41: {  	_ =	shalt  }
0x42: {  	_ =	shalt  }
0x43: {  	_ =	shalt  }
0x44: {  	_ =	shalt  }
0x45: {  	_ =	shalt  }
0x46: {  	_ =	shalt  }
0x47: {  	_ =	shalt  }
0x48: {  	_ =	shalt  }
0x49: {  	_ =	shalt  }
0x4a: {  	_ =	shalt  }
0x4b: {  	_ =	shalt  }
0x4c: {  	_ =	shalt  }
0x4d: {  	_ =	shalt  }
0x4e: {  	_ =	shalt  }
0x4f: {  	_ =	shalt  }
0x50: {  	_ =	shalt  }
0x51: {  	_ =	shalt  }
0x52: {  	_ =	shalt  }
0x53: {  	_ =	shalt  }
0x54: {  	_ =	shalt  }
0x55: {  	_ =	shalt  }
0x56: {  	_ =	shalt  }
0x57: {  	_ =	shalt  }
0x58: {  	_ =	shalt  }
0x59: {  	_ =	shalt  }
0x5a: {  	_ =	shalt  }
0x5b: {  	_ =	shalt  }
0x5c: {  	_ =	shalt  }
0x5d: {  	_ =	shalt  }
0x5e: {  	_ =	shalt  }
0x5f: {  	_ =	shalt  }
0x60: {  	_ =	shalt  }
0x61: {  	_ =	shalt  }
0x62: {  	_ =	shalt  }
0x63: {  	_ =	shalt  }
0x64: {  	_ =	shalt  }
0x65: {  	_ =	shalt  }
0x66: {  	_ =	shalt  }
0x67: {  	_ =	shalt  }
0x68: {  	_ =	shalt  }
0x69: {  	_ =	shalt  }
0x6a: {  	_ =	shalt  }
0x6b: {  	_ =	shalt  }
0x6c: {  	_ =	shalt  }
0x6d: {  	_ =	shalt  }
0x6e: {  	_ =	shalt  }
0x6f: {  	_ =	shalt  }
0x70: {  	_ =	shalt  }
0x71: {  	_ =	shalt  }
0x72: {  	_ =	shalt  }
0x73: {  	_ =	shalt  }
0x74: {  	_ =	shalt  }
0x75: {  	_ =	shalt  }
0x76: {  	_ =	shalt  }
0x77: {  	_ =	shalt  }
0x78: {  	_ =	shalt  }
0x79: {  	_ =	shalt  }
0x7a: {  	_ =	shalt  }
0x7b: {  	_ =	shalt  }
0x7c: {  	_ =	shalt  }
0x7d: {  	_ =	shalt  }
0x7e: {  	_ =	shalt  }
0x7f: {  	_ =	shalt  }
0x80: {  	_ =	shalt  }
0x81: {  	_ =	shalt  }
0x82: {  	_ =	shalt  }
0x83: {  	_ =	shalt  }
0x84: {  	_ =	shalt  }
0x85: {  	_ =	shalt  }
0x86: {  	_ =	shalt  }
0x87: {  	_ =	shalt  }
.Lfunc_end0:
.L_simem_size_0:
called_computation_lowered:
.L_overlay_start_0:
0x88: {  	s2 =	sld [smem:$0x3FD9]  }
0x89: {  	s3 =	sld [smem:$0x3FFE];
	_ =	sdelay $0x1  }
0x8a: {  	s1 =	srdreg.scid  }
0x8b: {  	s0 =	sand.u32 $0x1, s1  }
0x8c: {  	s16 =	sshll.u32 s0, $0xA;
	s2 =	sadd.s32 s3, s2  }
0x8d: {  	s2 =	sadd.s32 s2, s16  }
0x8e: {  	[smem:$0x3FBE] =	sst s2  }
0x8f: {  	_ = 	snop  }
0x90: {  	(tm) =	ssettm $0x1  }
0x91: {  	s17 =	sld [smem:$0x3FFB];
	_ =	sdelay $0x3  }
0x92: {  	_ =	strace s17  }
0x93: {  	s2 =	sld [smem:$0x3FFC];
	_ =	sdelay $0x3  }
0x94: {  	_ =	strace s2  }
0x95: {  	s2 =	sld [smem:$0x3FFD];
	_ =	sdelay $0x3  }
0x96: {  	_ =	strace s2  }
0x97: {  	_ =	strace $0x8FFFFFFF  }
0x98: {  	s18 =	sld [smem:$0x3FDB];
	_ =	sdelay $0x1  }
0x99: {  	s19 =	simm.s32 $_scs_section_size  }
0x9a: {  	s4 =	simm.s32 $_size__tile_overlayer_lowered;
	s5 =	simm.s32 $_tile_overlayer_lowered  }
0x9b: {  	s22 =	simm.s32 $0x1BFF;
	s21 =	sshll.u32 s5, $0x1;
	s2 =	sadd.s32 s19, s18  }
0x9c: {  	s6 =	simm.s32 $0x0;
	s20 =	sshll.u32 s4, $0x1;
	s4 =	sadd.s32 s21, s2  }
0x9d: {  	[timem:s6], [sflag:s22] =	dma.local [hbm:s4], s20  }
0x9e: {  	_ =	swait.ge [sflag:s22], s20  }
0x9f: {  	s3 =	ssub.s32 $0x0, s20;
	[sflag:s22] =	ssyncset.done $0x0  }
0xa0: {  	[sflag:s22] =	ssyncadd.s32 s3;
	_ =	sdelay $0x1  }
0xa1: {  	s23 =	simm.s32 $0x1B8B  }
0xa2: {  	_ =	swait.ge [sflag:s23], $0x1  }
0xa3: {  	[sflag:s23] =	ssyncset.done $0x0  }
0xa4: {  	s25 =	simm.s32 $0x1B8E;
	s24 =	sld [smem:$0x3FFE];
	[sflag:s23] =	ssyncadd.s32 $0xFFFFFFFF  }
0xa5: {  	s26 =	simm.s32 $execute0_lowered;
	[smem:$0x3FD2] =	sst s25  }
0xa6: {  	s4 =	sshll.u32 s26, $0x1;
	_ =	strace $0x80000046;
	[dreg:$0x1] =	wrdreg $0xFFFFFFFF  }
0xa7: {  	s28 =	simm.s32 $_size_execute0_lowered;
	s2 =	sadd.s32 s2, s4;
	[dreg:$0x0] =	wrdreg $0x0  }
0xa8: {  	s4 =	sshll.u32 s28, $0x1;
	[dreg:$0x2] =	wrdreg s2  }
0xa9: {  	[dreg:$0x3] =	wrdreg s4  }
0xaa: {  	[dreg:$0x4] =	wrdreg $0xC0  }
0xab: {  	_ =	task [dreg:s6], $0x5FFFF  }
0xac: {  	[dreg:$0x1] =	wrdreg $0xFFFFFFFF  }
0xad: {  	[dreg:$0x0] =	wrdreg $0x60  }
0xae: {  	[dreg:$0x2] =	wrdreg s24  }
0xaf: {  	[dreg:$0x3] =	wrdreg $0x9  }
0xb0: {  	_ =	task.clear_ibuf [dreg:s6], $0x4FFFF;
	_ =	strace $0x90000046  }
0xb1: {  	s29 =	simm.s32 $0x9;
	_ =	strace $0x80000048  }
0xb2: {  	_ =	swait.ge [sflag:s29], $0x1  }
0xb3: {  	[sflag:s29] =	ssyncadd.s32 $0xFFFFFFFF  }
0xb4: {  	_ =	strace $0x90000048  }
0xb5: {  	_ =	sfence  }
0xb6: {  	s30 =	sld [smem:$0x0];
	_ =	sdelay $0x2  }
0xb7: {  	s31 =	sshll.u32 s1, $0xD;
	s1 =	sshrl.u32 s1, $0x2  }
0xb8: {  	s3 =	sand.u32 $0x4000, s31;
	s1 =	sadd.s32 s1, s30  }
0xb9: {  	s0 =	sor.u32 s3, s0;
	s1 =	sshll.u32 s1, $0x11  }
0xba: {  	s0 =	sor.u32 s1, s0  }
0xbb: {  	s0 =	sadd.s32 $0x8F2B, s0  }
0xbc: {  	[sflag:s0] =	ssyncadd.remote.s32 $0x1  }
0xbd: {  	_ =	sfence.sel $0xFFFF  }
0xbe: {  	[dreg:$0x0] =	wrdreg $0xFFFFFFFF;
	(pc) =	sbr.abs _section_cstart, $3  }
0xbf: {  	[dreg:$0x1] =	wrdreg $0xFFFFFFFF  }
0xc0: {  	_ =	task.clear_ibuf [dreg:s6], $0x2FFFF;
	_ =	strace $0x9FFFFFFF  }
0xc1: {  	(tm) =	ssettm $0x7FFFFFFF  }
tec
execute0_lowered:
.L_overlay_start_1:
0x0: {  	(tag) =	ssettag $0x1  }
0x1: {  	s0 =	srdreg.scid  }
0x2: {  	s4 =	rddreg [dreg:$0x0];
	s1 =	stileid.u32  }
0x3: {  	s2 =	simm.s32 $0x0;
	s3 =	sand.u32 $0x1, s0;
	s0 =	rddreg [dreg:$0x1]  }
0x4: {  	[smem:$0x7FF] =	sst s2;
	s8 =	smul.u32 $0x4F0, s1  }
0x5: {  	s5 =	sshll.u32 s3, $0x4;
	s6 =	smul.u32 $0x4F00, s3;
	_ =	strace $0x80000047  }
0x6: {  	s7 =	ssub.s32 $0x2, s3;
	s3 =	sadd.s32 $0xD000, s4;
	s5 =	sor.u32 s1, s5  }
0x7: {  	s9 =	sshrl.u32 s7, $0x1;
	s5 =	smul.u32 $0x500, s5;
	s6 =	sadd.s32 s6, s4  }
0x8: {  	s31 =	ssub.s32 s7, s9;
	s7 =	simm.s32 $0x80;
	s9 =	simm.s32 $0x0  }
0x9: {  	s6 =	sadd.s32 s8, s6;
	s8 =	simm.s32 $0x1;
	s4 =	sadd.s32 s5, s4  }
0xa: {  	v0 =	vimm.f32 $1.000000000e+00;
	s5 =	smax.u32 s31, $0x1;
	s6 =	sadd.s32 $0x3200, s6;
	s4 =	sadd.s32 $0xD600, s4  }
.LBB2_1:
0xb: {  	[tilespmem:s7], [sflag:$0x1] =	stream.linear.gather [hbm4b:s3+s2], $0x2800, $0x38;
	[tilespmem:$0x2880] =	vst v63  }
0xc: {  	_ =	swait.ge [sflag:s8], $0x2800  }
0xd: {  	[sflag:s8] =	ssyncset.done $0x0  }
0xe: {  	s10 =	simm.s32 $0x0;
	[sflag:s8] =	ssyncadd.s32 $0xFFFFD800  }
.LBB2_2:
0xf: {  	s11 =	sadd.s32 s10, s6  }
0x10: {  	[tilespmem:s2], [sflag:$0x1] =	stream.linear.gather [hbm4b:s11+s2], $0x80, $0x38;
	[tilespmem:$0x2880] =	vst v63  }
0x11: {  	_ =	swait.ge [sflag:s8], $0x80  }
0x12: {  	[sflag:s8] =	ssyncset.done $0x0  }
0x13: {  	[sflag:s8] =	ssyncadd.s32 $0xFFFFFF80  }
0x14: {  	v1 =	vld [tilespmem:$0x0];
	_ =	sdelay $0x7  }
0x15: {  	[tilespmem:v1+s7+$0x0] =	vst.idx.add.f32.msk $0xffff, v0  }
0x16: {  	v1 =	vld [tilespmem:$0x10];
	_ =	sdelay $0x7  }
0x17: {  	[tilespmem:v1+s7+$0x0] =	vst.idx.add.f32.msk $0xffff, v0  }
0x18: {  	v1 =	vld [tilespmem:$0x20];
	_ =	sdelay $0x7  }
0x19: {  	[tilespmem:v1+s7+$0x0] =	vst.idx.add.f32.msk $0xffff, v0  }
0x1a: {  	v1 =	vld [tilespmem:$0x30];
	_ =	sdelay $0x7  }
0x1b: {  	[tilespmem:v1+s7+$0x0] =	vst.idx.add.f32.msk $0xffff, v0  }
0x1c: {  	v1 =	vld [tilespmem:$0x40];
	_ =	sdelay $0x7  }
0x1d: {  	[tilespmem:v1+s7+$0x0] =	vst.idx.add.f32.msk $0xffff, v0  }
0x1e: {  	v1 =	vld [tilespmem:$0x50];
	_ =	sdelay $0x7  }
0x1f: {  	[tilespmem:v1+s7+$0x0] =	vst.idx.add.f32.msk $0xffff, v0  }
0x20: {  	v1 =	vld [tilespmem:$0x60];
	_ =	sdelay $0x7  }
0x21: {  	[tilespmem:v1+s7+$0x0] =	vst.idx.add.f32.msk $0xffff, v0  }
0x22: {  	v1 =	vld [tilespmem:$0x70];
	_ =	sdelay $0x2  }
0x23: {  	p0 =	sne.s32 s10, $0x4E0  }
.Ltmp0:
0x24: {  	_ = 	snop;
	(pc) =	sbr.rel @p0 .LBB2_2-.Ltmp0, $2  }
0x25: {  	_ =	sdelay $0x2  }
0x26: {  	s10 =	sadd.s32 $0x10, s10;
	[tilespmem:v1+s7+$0x0] =	vst.idx.add.f32.msk $0xffff, v0  }
0x27: {  	s9 =	sadd.s32 $0x1, s9  }
0x28: {  	p0 =	sne.s32 s9, s5  }
.Ltmp1:
0x29: {  	_ = 	snop;
	(pc) =	sbr.rel @p0 .LBB2_1-.Ltmp1, $4  }
0x2a: {  	[hbm4b:s4+s2] =	stream.linear.scatter [tilespmem:s7], [sflag:$0x1], $0x2800, $0x38;
	[tilespmem:$0x2880] =	vst v63  }
0x2b: {  	_ =	swait.ge [sflag:s8], $0x2800  }
0x2c: {  	[sflag:s8] =	ssyncset.done $0x0  }
0x2d: {  	[sflag:s8] =	ssyncadd.s32 $0xFFFFD800  }
0x2e: {  	_ =	sfence.sel $0x180000  }
0x2f: {  	[bflag:$0x0] =	sbarrier.arrive $0xFFFF  }
0x30: {  	p0 =	sne.s32 s1, $0x0;
	_ =	strace $0x90000047  }
0x31: {  	s0 =	sadd.s32 @!p0 $0x100000, s0;
	[bflag:$0x2] =	sbarrier.arrive $0xFFFF  }
0x32: {  	[sflag:s0] =	ssyncadd.tile.s32 @!p0 $0x1;
	_ =	shalt  }
.Lfunc_end2:
_tile_overlayer_lowered:
.L_overlay_start_2:
0x33: {  	(tag) =	ssettag $0x2  }
0x34: {  	s0 =	rddreg [dreg:$0x0];
	s2 =	stileid.u32  }
0x35: {  	s1 =	rddreg [dreg:$0x1];
	p0 =	sne.s32 s2, $0x0  }
0x36: {  	s3 =	rddreg [dreg:$0x2];
	[bflag:$0x3] =	sbarrier.arrive $0xFFFF;
	s2 =	simm.s32 @!p0 $0x1C01  }
0x37: {  	[timem:s3], [sflag:s2] =	dma.local @!p0 [hbm:s0], s1  }
0x38: {  	s0 =	simm.s32 @!p0 $0x1  }
0x39: {  	_ =	swait.ge @!p0 [sflag:s0], s1  }
0x3a: {  	s1 =	ssub.s32 @!p0 $0x0, s1;
	[sflag:s0] =	ssyncset.done @!p0 $0x0  }
0x3b: {  	[sflag:s0] =	ssyncadd.s32 @!p0 s1  }
0x3c: {  	[bflag:$0x3] =	sbarrier.arrive $0xFFFF  }
0x3d: {  	_ =	shalt  }

</sc_bundles>
